<compile_context>
chip_gen: v7x
topology: tpu7x:2x2x1
jax: 0.10.2.dev20260603
libtpu: 0.0.44.dev20260713+nightly
codegen_flags: <defaults>
</compile_context>

<pallas_src>
import functools

import jax
import jax.numpy as jnp
from jax import lax
from jax.experimental import pallas as pl
from jax.experimental.pallas import tpu as pltpu
from jax.experimental.pallas import tpu_sc as plsc

_VOCAB = 1000000
_HIDDEN = 64
_BATCH = 4096
_SEQ = 200

_info = plsc.get_sparse_core_info()
_NC, _NS = _info.num_cores, _info.num_subcores
_NW = _NC * _NS
_BPW = _BATCH // _NW
_IPW = _BPW * _SEQ
_S0 = 104
_S1 = _SEQ - _S0
_NSLOT = 4
_LOOKAHEAD = 2


def _sc_body(idx_hbm, emb_hbm, pos_hbm, out_hbm,
             idx_v, pos_v, rows, gsem, wsem, psem):
    wid = lax.axis_index("s") * _NC + lax.axis_index("c")
    pltpu.sync_copy(idx_hbm.at[pl.ds(wid * _IPW, _IPW)], idx_v)
    pltpu.sync_copy(pos_hbm.at[pl.ds(0, _SEQ)], pos_v)

    def gathers(j, slot):
        pltpu.make_async_copy(emb_hbm.at[idx_v.at[pl.ds(j * _SEQ, _S0)]],
                              rows.at[slot, pl.ds(0, _S0)],
                              gsem.at[slot]).start()
        pltpu.make_async_copy(emb_hbm.at[idx_v.at[pl.ds(j * _SEQ + _S0, _S1)]],
                              rows.at[slot, pl.ds(_S0, _S1)],
                              gsem.at[slot]).start()

    def wait_gathers(j, slot):
        pltpu.make_async_copy(emb_hbm.at[idx_v.at[pl.ds(j * _SEQ, _S0)]],
                              rows.at[slot, pl.ds(0, _S0)],
                              gsem.at[slot]).wait()
        pltpu.make_async_copy(emb_hbm.at[idx_v.at[pl.ds(j * _SEQ + _S0, _S1)]],
                              rows.at[slot, pl.ds(_S0, _S1)],
                              gsem.at[slot]).wait()

    def writes_start(j, slot):
        b = wid * _BPW + j
        pltpu.make_async_copy(
            pos_v, out_hbm.at[b, :, pl.ds(0, _HIDDEN)],
            psem.at[slot]).start()
        pltpu.make_async_copy(
            rows.at[slot],
            out_hbm.at[b, :, pl.ds(_HIDDEN, _HIDDEN)],
            wsem.at[slot]).start()

    def writes_wait(j, slot):
        b = wid * _BPW + j
        pltpu.make_async_copy(
            pos_v, out_hbm.at[b, :, pl.ds(0, _HIDDEN)],
            psem.at[slot]).wait()
        pltpu.make_async_copy(
            rows.at[slot],
            out_hbm.at[b, :, pl.ds(_HIDDEN, _HIDDEN)],
            wsem.at[slot]).wait()

    for j in range(_LOOKAHEAD):
        gathers(j, j % _NSLOT)

    def body(j, carry):
        slot = j % _NSLOT
        wait_gathers(j, slot)
        writes_start(j, slot)

        @pl.when(j + _LOOKAHEAD < _BPW)
        def _():
            ns = (j + _LOOKAHEAD) % _NSLOT

            @pl.when(j + _LOOKAHEAD >= _NSLOT)
            def _():
                writes_wait(j + _LOOKAHEAD - _NSLOT, ns)

            gathers(j + _LOOKAHEAD, ns)

        return carry

    lax.fori_loop(0, _BPW, body, 0)

    for j in range(_BPW - _NSLOT, _BPW):
        writes_wait(j, j % _NSLOT)


@functools.partial(jax.jit, static_argnums=())
def _run(idx, embedding, position_embedding):
    emb2 = jnp.concatenate(
        [embedding, jnp.zeros_like(embedding)], axis=1
    ).reshape(2 * _VOCAB, _HIDDEN)
    idx2 = idx.reshape(-1).astype(jnp.int32) * 2

    mesh = plsc.VectorSubcoreMesh(core_axis_name="c", subcore_axis_name="s")
    kern = pl.kernel(
        _sc_body,
        mesh=mesh,
        compiler_params=pltpu.CompilerParams(use_tc_tiling_on_sc=False),
        out_type=jax.ShapeDtypeStruct((_BATCH, _SEQ, 2 * _HIDDEN),
                                      jnp.float32),
        scratch_types=[
            pltpu.VMEM((_IPW,), jnp.int32),
            pltpu.VMEM((_SEQ, _HIDDEN), jnp.float32),
            pltpu.VMEM((_NSLOT, _SEQ, _HIDDEN), jnp.float32),
            pltpu.SemaphoreType.DMA((_NSLOT,)),
            pltpu.SemaphoreType.DMA((_NSLOT,)),
            pltpu.SemaphoreType.DMA((_NSLOT,)),
        ],
    )
    return kern(idx2, emb2, position_embedding)


def kernel(inputs, embedding, position_embedding):
    return _run(inputs, embedding, position_embedding)

# --- scband reference (transcript-rebuilt; emitter-appended) ---
"""Pipeline reference for scband-index-position-embedding-10075993276789 (READ-ONLY COPY).

The authoritative reference and input builder live on the scoring server;
editing this copy changes nothing except your own understanding.
"""

import jax, jax.numpy as jnp
import numpy as np

VOCAB = 1000000
HIDDEN = 64
MAX_LEN = 512
BATCH = 4096
SEQ = 200

def setup_inputs(seed: int = 0) -> dict:
    key = jax.random.key(seed)
    k1, k2, k3 = jax.random.split(key, 3)
    inputs = jax.random.randint(k1, (BATCH, SEQ), 0, VOCAB, dtype=jnp.int64 if jax.config.jax_enable_x64 else jnp.int32).astype(jnp.int32)
    embedding = jax.random.normal(k2, (VOCAB, HIDDEN), dtype=jnp.float32)
    position_embedding = jax.random.normal(k3, (MAX_LEN, HIDDEN), dtype=jnp.float32)
    return {"inputs": inputs, "embedding": embedding, "position_embedding": position_embedding}

def reference(inputs, embedding, position_embedding):
    batch_size = inputs.shape[0]
    seq_len = inputs.shape[1]
    start_index = 0
    # token embedding lookup
    embedded_input = jnp.take(embedding, inputs, axis=0)  # [B, S, H]
    # position indices, expanded to batch
    position_input_index = jnp.broadcast_to(
        jnp.arange(start_index, start_index + seq_len, dtype=jnp.int32)[None, :],
        (batch_size, seq_len),
    )
    position_input_embedded = jnp.take(position_embedding, position_input_index, axis=0)  # [B, S, H]
    position_input = jnp.concatenate([position_input_embedded, embedded_input], axis=-1)  # [B, S, 2H]
    return position_input

if __name__ == "__main__":
    import jax
    _d = setup_inputs()
    print(jax.jit(kernel)(*tuple(_d.values())))

</pallas_src>

<mosaic_0001>
#map = affine_map<(d0, d1) -> (0)>
#map1 = affine_map<(d0, d1) -> (0, 0)>
#map2 = affine_map<(d0, d1) -> (0, 0, 0)>
module attributes {stable_mosaic.version = 14 : i64} {
  func.func @_sc_body(%arg0: i32, %arg1: i32, %arg2: memref<819200xi32, #tpu.memory_space<hbm>>, %arg3: memref<2000000x64xf32, #tpu.memory_space<hbm>>, %arg4: memref<512x64xf32, #tpu.memory_space<hbm>>, %arg5: memref<4096x200x128xf32, #tpu.memory_space<hbm>>, %arg6: memref<25600xi32, #tpu.memory_space<vmem>>, %arg7: memref<200x64xf32, #tpu.memory_space<vmem>>, %arg8: memref<4x200x64xf32, #tpu.memory_space<vmem>>, %arg9: memref<4x!tpu.dma_semaphore, #tpu.memory_space<semaphore_mem>>, %arg10: memref<4x!tpu.dma_semaphore, #tpu.memory_space<semaphore_mem>>, %arg11: memref<4x!tpu.dma_semaphore, #tpu.memory_space<semaphore_mem>>) attributes {dimension_semantics = [#tpu.dimension_semantics<core_parallel>, #tpu.dimension_semantics<subcore_parallel>], iteration_bounds = array<i64: 2, 16>, scalar_prefetch = 0 : i64, scratch_operands = 6 : i64, tpu.core_type = #tpu.core_type<sc_vector_subcore>, window_params = [{transform_indices = #map}, {transform_indices = #map1}, {transform_indices = #map1}, {transform_indices = #map2}]} {
    %mul3A = arith.constant 2 : i32
    %mul3A_0 = arith.muli %arg1, %mul3A : i32
    %add3A = arith.addi %mul3A_0, %arg0 : i32
    %mul3A_1 = arith.constant 25600 : i32
    %mul3A_2 = arith.muli %add3A, %mul3A_1 : i32
    "tpu.region"() ({
      %run_scoped3A = tpu.sem_alloc : memref<!tpu.dma_semaphore, #tpu.memory_space<semaphore_mem>>
      %dma_start3A_198 = tpu.memref_slice %arg2[%mul3A_2] : memref<819200xi32, #tpu.memory_space<hbm>> -> memref<25600xi32, #tpu.memory_space<hbm>>
      %dma_start3A_199 = tpu.memref_slice %arg2[%mul3A_2] : memref<819200xi32, #tpu.memory_space<hbm>> -> memref<25600xi32, #tpu.memory_space<hbm>>
      tpu.enqueue_dma source(%dma_start3A_199 : memref<25600xi32, #tpu.memory_space<hbm>>) target(%arg6 : memref<25600xi32, #tpu.memory_space<vmem>>) target_semaphore(%run_scoped3A : memref<!tpu.dma_semaphore, #tpu.memory_space<semaphore_mem>>)
      %dma_wait3A_200 = tpu.memref_slice %arg2[%mul3A_2] : memref<819200xi32, #tpu.memory_space<hbm>> -> memref<25600xi32, #tpu.memory_space<hbm>>
      %dma_wait3A_201 = tpu.memref_slice %arg2[%mul3A_2] : memref<819200xi32, #tpu.memory_space<hbm>> -> memref<25600xi32, #tpu.memory_space<hbm>>
      tpu.wait_dma2 semaphore(%run_scoped3A : memref<!tpu.dma_semaphore, #tpu.memory_space<semaphore_mem>>) src(%dma_wait3A_201 : memref<25600xi32, #tpu.memory_space<hbm>>) dst(%arg6 : memref<25600xi32, #tpu.memory_space<vmem>>)
      tpu.yield
    }) : () -> ()
    "tpu.region"() ({
      %run_scoped3A = tpu.sem_alloc : memref<!tpu.dma_semaphore, #tpu.memory_space<semaphore_mem>>
      %dma_start3A_198 = arith.constant 0 : i32
      %dma_start3A_199 = arith.constant 0 : i32
      %dma_start3A_200 = tpu.memref_slice %arg4[%dma_start3A_198, %dma_start3A_199] : memref<512x64xf32, #tpu.memory_space<hbm>> -> memref<200x64xf32, #tpu.memory_space<hbm>>
      %dma_start3A_201 = arith.constant 0 : i32
      %dma_start3A_202 = arith.constant 0 : i32
      %dma_start3A_203 = tpu.memref_slice %arg4[%dma_start3A_201, %dma_start3A_202] : memref<512x64xf32, #tpu.memory_space<hbm>> -> memref<200x64xf32, #tpu.memory_space<hbm>>
      tpu.enqueue_dma source(%dma_start3A_203 : memref<200x64xf32, #tpu.memory_space<hbm>>) target(%arg7 : memref<200x64xf32, #tpu.memory_space<vmem>>) target_semaphore(%run_scoped3A : memref<!tpu.dma_semaphore, #tpu.memory_space<semaphore_mem>>)
      %dma_wait3A_204 = arith.constant 0 : i32
      %dma_wait3A_205 = arith.constant 0 : i32
      %dma_wait3A_206 = tpu.memref_slice %arg4[%dma_wait3A_204, %dma_wait3A_205] : memref<512x64xf32, #tpu.memory_space<hbm>> -> memref<200x64xf32, #tpu.memory_space<hbm>>
      %dma_wait3A_207 = arith.constant 0 : i32
      %dma_wait3A_208 = arith.constant 0 : i32
      %dma_wait3A_209 = tpu.memref_slice %arg4[%dma_wait3A_207, %dma_wait3A_208] : memref<512x64xf32, #tpu.memory_space<hbm>> -> memref<200x64xf32, #tpu.memory_space<hbm>>
      tpu.wait_dma2 semaphore(%run_scoped3A : memref<!tpu.dma_semaphore, #tpu.memory_space<semaphore_mem>>) src(%dma_wait3A_209 : memref<200x64xf32, #tpu.memory_space<hbm>>) dst(%arg7 : memref<200x64xf32, #tpu.memory_space<vmem>>)
      tpu.yield
    }) : () -> ()
    %dma_start3A = arith.constant 0 : i32
    %dma_start3A_3 = arith.constant 0 : i32
    %dma_start3A_4 = arith.constant 0 : i32
    %dma_start3A_5 = arith.constant 0 : i32
    %dma_start3A_6 = tpu.memref_slice %arg8[%dma_start3A, %dma_start3A_4, %dma_start3A_5] : memref<4x200x64xf32, #tpu.memory_space<vmem>> -> memref<1x104x64xf32, #tpu.memory_space<vmem>>
    %dma_start3A_7 = tpu.memref_squeeze %dma_start3A_6 : memref<1x104x64xf32, #tpu.memory_space<vmem>> -> memref<104x64xf32, #tpu.memory_space<vmem>>
    %dma_start3A_8 = arith.constant 0 : i32
    %dma_start3A_9 = tpu.memref_slice %arg6[%dma_start3A_8] : memref<25600xi32, #tpu.memory_space<vmem>> -> memref<104xi32, #tpu.memory_space<vmem>>
    %dma_start3A_10 = arith.constant 0 : i32
    %dma_start3A_11 = arith.constant 0 : i32
    %dma_start3A_12 = tpu.memref_slice %arg3[%dma_start3A_10, %dma_start3A_11] : memref<2000000x64xf32, #tpu.memory_space<hbm>> -> memref<2000000x64xf32, #tpu.memory_space<hbm>>
    %dma_start3A_13 = tpu.memref_slice %arg9[%dma_start3A_3] : memref<4x!tpu.dma_semaphore, #tpu.memory_space<semaphore_mem>> -> memref<1x!tpu.dma_semaphore, #tpu.memory_space<semaphore_mem>>
    %dma_start3A_14 = tpu.memref_squeeze %dma_start3A_13 : memref<1x!tpu.dma_semaphore, #tpu.memory_space<semaphore_mem>> -> memref<!tpu.dma_semaphore, #tpu.memory_space<semaphore_mem>>
    tpu.enqueue_indirect_dma source(%dma_start3A_12 : memref<2000000x64xf32, #tpu.memory_space<hbm>>) target(%dma_start3A_7 : memref<104x64xf32, #tpu.memory_space<vmem>>) offsets(%dma_start3A_9 : memref<104xi32, #tpu.memory_space<vmem>>) semaphore(%dma_start3A_14 : memref<!tpu.dma_semaphore, #tpu.memory_space<semaphore_mem>>)
    %dma_start3A_15 = arith.constant 0 : i32
    %dma_start3A_16 = arith.constant 0 : i32
    %dma_start3A_17 = arith.constant 104 : i32
    %dma_start3A_18 = arith.constant 0 : i32
    %dma_start3A_19 = tpu.memref_slice %arg8[%dma_start3A_15, %dma_start3A_17, %dma_start3A_18] : memref<4x200x64xf32, #tpu.memory_space<vmem>> -> memref<1x96x64xf32, #tpu.memory_space<vmem>>
    %dma_start3A_20 = tpu.memref_squeeze %dma_start3A_19 : memref<1x96x64xf32, #tpu.memory_space<vmem>> -> memref<96x64xf32, #tpu.memory_space<vmem>>
    %dma_start3A_21 = arith.constant 104 : i32
    %dma_start3A_22 = tpu.memref_slice %arg6[%dma_start3A_21] : memref<25600xi32, #tpu.memory_space<vmem>> -> memref<96xi32, #tpu.memory_space<vmem>>
    %dma_start3A_23 = arith.constant 0 : i32
    %dma_start3A_24 = arith.constant 0 : i32
    %dma_start3A_25 = tpu.memref_slice %arg3[%dma_start3A_23, %dma_start3A_24] : memref<2000000x64xf32, #tpu.memory_space<hbm>> -> memref<2000000x64xf32, #tpu.memory_space<hbm>>
    %dma_start3A_26 = tpu.memref_slice %arg9[%dma_start3A_16] : memref<4x!tpu.dma_semaphore, #tpu.memory_space<semaphore_mem>> -> memref<1x!tpu.dma_semaphore, #tpu.memory_space<semaphore_mem>>
    %dma_start3A_27 = tpu.memref_squeeze %dma_start3A_26 : memref<1x!tpu.dma_semaphore, #tpu.memory_space<semaphore_mem>> -> memref<!tpu.dma_semaphore, #tpu.memory_space<semaphore_mem>>
    tpu.enqueue_indirect_dma source(%dma_start3A_25 : memref<2000000x64xf32, #tpu.memory_space<hbm>>) target(%dma_start3A_20 : memref<96x64xf32, #tpu.memory_space<vmem>>) offsets(%dma_start3A_22 : memref<96xi32, #tpu.memory_space<vmem>>) semaphore(%dma_start3A_27 : memref<!tpu.dma_semaphore, #tpu.memory_space<semaphore_mem>>)
    %dma_start3A_28 = arith.constant 1 : i32
    %dma_start3A_29 = arith.constant 1 : i32
    %dma_start3A_30 = arith.constant 0 : i32
    %dma_start3A_31 = arith.constant 0 : i32
    %dma_start3A_32 = tpu.memref_slice %arg8[%dma_start3A_28, %dma_start3A_30, %dma_start3A_31] : memref<4x200x64xf32, #tpu.memory_space<vmem>> -> memref<1x104x64xf32, #tpu.memory_space<vmem>>
    %dma_start3A_33 = tpu.memref_squeeze %dma_start3A_32 : memref<1x104x64xf32, #tpu.memory_space<vmem>> -> memref<104x64xf32, #tpu.memory_space<vmem>>
    %dma_start3A_34 = arith.constant 200 : i32
    %dma_start3A_35 = tpu.memref_slice %arg6[%dma_start3A_34] : memref<25600xi32, #tpu.memory_space<vmem>> -> memref<104xi32, #tpu.memory_space<vmem>>
    %dma_start3A_36 = arith.constant 0 : i32
    %dma_start3A_37 = arith.constant 0 : i32
    %dma_start3A_38 = tpu.memref_slice %arg3[%dma_start3A_36, %dma_start3A_37] : memref<2000000x64xf32, #tpu.memory_space<hbm>> -> memref<2000000x64xf32, #tpu.memory_space<hbm>>
    %dma_start3A_39 = tpu.memref_slice %arg9[%dma_start3A_29] : memref<4x!tpu.dma_semaphore, #tpu.memory_space<semaphore_mem>> -> memref<1x!tpu.dma_semaphore, #tpu.memory_space<semaphore_mem>>
    %dma_start3A_40 = tpu.memref_squeeze %dma_start3A_39 : memref<1x!tpu.dma_semaphore, #tpu.memory_space<semaphore_mem>> -> memref<!tpu.dma_semaphore, #tpu.memory_space<semaphore_mem>>
    tpu.enqueue_indirect_dma source(%dma_start3A_38 : memref<2000000x64xf32, #tpu.memory_space<hbm>>) target(%dma_start3A_33 : memref<104x64xf32, #tpu.memory_space<vmem>>) offsets(%dma_start3A_35 : memref<104xi32, #tpu.memory_space<vmem>>) semaphore(%dma_start3A_40 : memref<!tpu.dma_semaphore, #tpu.memory_space<semaphore_mem>>)
    %dma_start3A_41 = arith.constant 1 : i32
    %dma_start3A_42 = arith.constant 1 : i32
    %dma_start3A_43 = arith.constant 104 : i32
    %dma_start3A_44 = arith.constant 0 : i32
    %dma_start3A_45 = tpu.memref_slice %arg8[%dma_start3A_41, %dma_start3A_43, %dma_start3A_44] : memref<4x200x64xf32, #tpu.memory_space<vmem>> -> memref<1x96x64xf32, #tpu.memory_space<vmem>>
    %dma_start3A_46 = tpu.memref_squeeze %dma_start3A_45 : memref<1x96x64xf32, #tpu.memory_space<vmem>> -> memref<96x64xf32, #tpu.memory_space<vmem>>
    %dma_start3A_47 = arith.constant 304 : i32
    %dma_start3A_48 = tpu.memref_slice %arg6[%dma_start3A_47] : memref<25600xi32, #tpu.memory_space<vmem>> -> memref<96xi32, #tpu.memory_space<vmem>>
    %dma_start3A_49 = arith.constant 0 : i32
    %dma_start3A_50 = arith.constant 0 : i32
    %dma_start3A_51 = tpu.memref_slice %arg3[%dma_start3A_49, %dma_start3A_50] : memref<2000000x64xf32, #tpu.memory_space<hbm>> -> memref<2000000x64xf32, #tpu.memory_space<hbm>>
    %dma_start3A_52 = tpu.memref_slice %arg9[%dma_start3A_42] : memref<4x!tpu.dma_semaphore, #tpu.memory_space<semaphore_mem>> -> memref<1x!tpu.dma_semaphore, #tpu.memory_space<semaphore_mem>>
    %dma_start3A_53 = tpu.memref_squeeze %dma_start3A_52 : memref<1x!tpu.dma_semaphore, #tpu.memory_space<semaphore_mem>> -> memref<!tpu.dma_semaphore, #tpu.memory_space<semaphore_mem>>
    tpu.enqueue_indirect_dma source(%dma_start3A_51 : memref<2000000x64xf32, #tpu.memory_space<hbm>>) target(%dma_start3A_46 : memref<96x64xf32, #tpu.memory_space<vmem>>) offsets(%dma_start3A_48 : memref<96xi32, #tpu.memory_space<vmem>>) semaphore(%dma_start3A_53 : memref<!tpu.dma_semaphore, #tpu.memory_space<semaphore_mem>>)
    %scan3A = arith.constant 0 : i32
    %scan3A_54 = arith.constant 0 : i32
    %scan3A_55 = arith.constant 128 : i32
    %scan3A_56 = arith.addi %scan3A_54, %scan3A_55 : i32
    %scan3A_57 = arith.constant 1 : i32
    scf.for %scan3A_198 = %scan3A_54 to %scan3A_56 step %scan3A_57  : i32 {
      %jit3A = arith.constant 4 : i32
      %eq3A = arith.constant 0 : i32
      %eq3A_199 = arith.cmpi eq, %jit3A, %eq3A : i32
      %jit3A_200 = arith.constant 1 : i32
      %select_n3A = arith.select %eq3A_199, %jit3A_200, %jit3A : i32
      %rem3A = arith.remsi %scan3A_198, %select_n3A : i32
      %ne3A = arith.constant 0 : i32
      %ne3A_201 = arith.cmpi ne, %rem3A, %ne3A : i32
      %lt3A = arith.constant 0 : i32
      %lt3A_202 = arith.cmpi slt, %rem3A, %lt3A : i32
      %lt3A_203 = arith.constant 0 : i32
      %lt3A_204 = arith.cmpi slt, %select_n3A, %lt3A_203 : i32
      %ne3A_205 = arith.xori %lt3A_202, %lt3A_204 : i1
      %and3A = arith.andi %ne3A_205, %ne3A_201 : i1
      %add3A_206 = arith.addi %rem3A, %select_n3A : i32
      %select_n3A_207 = arith.select %and3A, %add3A_206, %rem3A : i32
      %mul3A_208 = arith.constant 200 : i32
      %mul3A_209 = arith.muli %scan3A_198, %mul3A_208 : i32
      %dma_wait3A_210 = arith.constant 0 : i32
      %dma_wait3A_211 = arith.constant 0 : i32
      %dma_wait3A_212 = tpu.memref_slice %arg8[%select_n3A_207, %dma_wait3A_210, %dma_wait3A_211] : memref<4x200x64xf32, #tpu.memory_space<vmem>> -> memref<1x104x64xf32, #tpu.memory_space<vmem>>
      %dma_wait3A_213 = tpu.memref_squeeze %dma_wait3A_212 : memref<1x104x64xf32, #tpu.memory_space<vmem>> -> memref<104x64xf32, #tpu.memory_space<vmem>>
      %dma_wait3A_214 = tpu.memref_slice %arg6[%mul3A_209] : memref<25600xi32, #tpu.memory_space<vmem>> -> memref<104xi32, #tpu.memory_space<vmem>>
      %dma_wait3A_215 = arith.constant 0 : i32
      %dma_wait3A_216 = arith.constant 0 : i32
      %dma_wait3A_217 = tpu.memref_slice %arg3[%dma_wait3A_215, %dma_wait3A_216] : memref<2000000x64xf32, #tpu.memory_space<hbm>> -> memref<2000000x64xf32, #tpu.memory_space<hbm>>
      %dma_wait3A_218 = tpu.memref_slice %arg9[%select_n3A_207] : memref<4x!tpu.dma_semaphore, #tpu.memory_space<semaphore_mem>> -> memref<1x!tpu.dma_semaphore, #tpu.memory_space<semaphore_mem>>
      %dma_wait3A_219 = tpu.memref_squeeze %dma_wait3A_218 : memref<1x!tpu.dma_semaphore, #tpu.memory_space<semaphore_mem>> -> memref<!tpu.dma_semaphore, #tpu.memory_space<semaphore_mem>>
      tpu.wait_indirect_dma semaphore(%dma_wait3A_219 : memref<!tpu.dma_semaphore, #tpu.memory_space<semaphore_mem>>) src(%dma_wait3A_217 : memref<2000000x64xf32, #tpu.memory_space<hbm>>) dst(%dma_wait3A_213 : memref<104x64xf32, #tpu.memory_space<vmem>>)
      %mul3A_220 = arith.constant 200 : i32
      %mul3A_221 = arith.muli %scan3A_198, %mul3A_220 : i32
      %add3A_222 = arith.constant 104 : i32
      %add3A_223 = arith.addi %mul3A_221, %add3A_222 : i32
      %dma_wait3A_224 = arith.constant 104 : i32
      %dma_wait3A_225 = arith.constant 0 : i32
      %dma_wait3A_226 = tpu.memref_slice %arg8[%select_n3A_207, %dma_wait3A_224, %dma_wait3A_225] : memref<4x200x64xf32, #tpu.memory_space<vmem>> -> memref<1x96x64xf32, #tpu.memory_space<vmem>>
      %dma_wait3A_227 = tpu.memref_squeeze %dma_wait3A_226 : memref<1x96x64xf32, #tpu.memory_space<vmem>> -> memref<96x64xf32, #tpu.memory_space<vmem>>
      %dma_wait3A_228 = tpu.memref_slice %arg6[%add3A_223] : memref<25600xi32, #tpu.memory_space<vmem>> -> memref<96xi32, #tpu.memory_space<vmem>>
      %dma_wait3A_229 = arith.constant 0 : i32
      %dma_wait3A_230 = arith.constant 0 : i32
      %dma_wait3A_231 = tpu.memref_slice %arg3[%dma_wait3A_229, %dma_wait3A_230] : memref<2000000x64xf32, #tpu.memory_space<hbm>> -> memref<2000000x64xf32, #tpu.memory_space<hbm>>
      %dma_wait3A_232 = tpu.memref_slice %arg9[%select_n3A_207] : memref<4x!tpu.dma_semaphore, #tpu.memory_space<semaphore_mem>> -> memref<1x!tpu.dma_semaphore, #tpu.memory_space<semaphore_mem>>
      %dma_wait3A_233 = tpu.memref_squeeze %dma_wait3A_232 : memref<1x!tpu.dma_semaphore, #tpu.memory_space<semaphore_mem>> -> memref<!tpu.dma_semaphore, #tpu.memory_space<semaphore_mem>>
      tpu.wait_indirect_dma semaphore(%dma_wait3A_233 : memref<!tpu.dma_semaphore, #tpu.memory_space<semaphore_mem>>) src(%dma_wait3A_231 : memref<2000000x64xf32, #tpu.memory_space<hbm>>) dst(%dma_wait3A_227 : memref<96x64xf32, #tpu.memory_space<vmem>>)
      %mul3A_234 = arith.constant 128 : i32
      %mul3A_235 = arith.muli %add3A, %mul3A_234 : i32
      %add3A_236 = arith.addi %mul3A_235, %scan3A_198 : i32
      %dma_start3A_237 = arith.constant 0 : i32
      %dma_start3A_238 = arith.constant 0 : i32
      %dma_start3A_239 = tpu.memref_slice %arg5[%add3A_236, %dma_start3A_237, %dma_start3A_238] : memref<4096x200x128xf32, #tpu.memory_space<hbm>> -> memref<1x200x64xf32, #tpu.memory_space<hbm>>
      %dma_start3A_240 = tpu.memref_squeeze %dma_start3A_239 : memref<1x200x64xf32, #tpu.memory_space<hbm>> -> memref<200x64xf32, #tpu.memory_space<hbm>>
      %dma_start3A_241 = tpu.memref_slice %arg11[%select_n3A_207] : memref<4x!tpu.dma_semaphore, #tpu.memory_space<semaphore_mem>> -> memref<1x!tpu.dma_semaphore, #tpu.memory_space<semaphore_mem>>
      %dma_start3A_242 = tpu.memref_squeeze %dma_start3A_241 : memref<1x!tpu.dma_semaphore, #tpu.memory_space<semaphore_mem>> -> memref<!tpu.dma_semaphore, #tpu.memory_space<semaphore_mem>>
      %dma_start3A_243 = arith.constant 0 : i32
      %dma_start3A_244 = arith.constant 0 : i32
      %dma_start3A_245 = tpu.memref_slice %arg5[%add3A_236, %dma_start3A_243, %dma_start3A_244] : memref<4096x200x128xf32, #tpu.memory_space<hbm>> -> memref<1x200x64xf32, #tpu.memory_space<hbm>>
      %dma_start3A_246 = tpu.memref_squeeze %dma_start3A_245 : memref<1x200x64xf32, #tpu.memory_space<hbm>> -> memref<200x64xf32, #tpu.memory_space<hbm>>
      tpu.enqueue_dma source(%arg7 : memref<200x64xf32, #tpu.memory_space<vmem>>) target(%dma_start3A_246 : memref<200x64xf32, #tpu.memory_space<hbm>>) target_semaphore(%dma_start3A_242 : memref<!tpu.dma_semaphore, #tpu.memory_space<semaphore_mem>>)
      %dma_start3A_247 = arith.constant 0 : i32
      %dma_start3A_248 = arith.constant 0 : i32
      %dma_start3A_249 = tpu.memref_slice %arg8[%select_n3A_207, %dma_start3A_247, %dma_start3A_248] : memref<4x200x64xf32, #tpu.memory_space<vmem>> -> memref<1x200x64xf32, #tpu.memory_space<vmem>>
      %dma_start3A_250 = tpu.memref_squeeze %dma_start3A_249 : memref<1x200x64xf32, #tpu.memory_space<vmem>> -> memref<200x64xf32, #tpu.memory_space<vmem>>
      %dma_start3A_251 = arith.constant 0 : i32
      %dma_start3A_252 = arith.constant 64 : i32
      %dma_start3A_253 = tpu.memref_slice %arg5[%add3A_236, %dma_start3A_251, %dma_start3A_252] : memref<4096x200x128xf32, #tpu.memory_space<hbm>> -> memref<1x200x64xf32, #tpu.memory_space<hbm>>
      %dma_start3A_254 = tpu.memref_squeeze %dma_start3A_253 : memref<1x200x64xf32, #tpu.memory_space<hbm>> -> memref<200x64xf32, #tpu.memory_space<hbm>>
      %dma_start3A_255 = tpu.memref_slice %arg10[%select_n3A_207] : memref<4x!tpu.dma_semaphore, #tpu.memory_space<semaphore_mem>> -> memref<1x!tpu.dma_semaphore, #tpu.memory_space<semaphore_mem>>
      %dma_start3A_256 = tpu.memref_squeeze %dma_start3A_255 : memref<1x!tpu.dma_semaphore, #tpu.memory_space<semaphore_mem>> -> memref<!tpu.dma_semaphore, #tpu.memory_space<semaphore_mem>>
      %dma_start3A_257 = arith.constant 0 : i32
      %dma_start3A_258 = arith.constant 64 : i32
      %dma_start3A_259 = tpu.memref_slice %arg5[%add3A_236, %dma_start3A_257, %dma_start3A_258] : memref<4096x200x128xf32, #tpu.memory_space<hbm>> -> memref<1x200x64xf32, #tpu.memory_space<hbm>>
      %dma_start3A_260 = tpu.memref_squeeze %dma_start3A_259 : memref<1x200x64xf32, #tpu.memory_space<hbm>> -> memref<200x64xf32, #tpu.memory_space<hbm>>
      %dma_start3A_261 = arith.constant 0 : i32
      %dma_start3A_262 = arith.constant 0 : i32
      %dma_start3A_263 = tpu.memref_slice %arg8[%select_n3A_207, %dma_start3A_261, %dma_start3A_262] : memref<4x200x64xf32, #tpu.memory_space<vmem>> -> memref<1x200x64xf32, #tpu.memory_space<vmem>>
      %dma_start3A_264 = tpu.memref_squeeze %dma_start3A_263 : memref<1x200x64xf32, #tpu.memory_space<vmem>> -> memref<200x64xf32, #tpu.memory_space<vmem>>
      tpu.enqueue_dma source(%dma_start3A_264 : memref<200x64xf32, #tpu.memory_space<vmem>>) target(%dma_start3A_260 : memref<200x64xf32, #tpu.memory_space<hbm>>) target_semaphore(%dma_start3A_256 : memref<!tpu.dma_semaphore, #tpu.memory_space<semaphore_mem>>)
      %add3A_265 = arith.constant 2 : i32
      %add3A_266 = arith.addi %scan3A_198, %add3A_265 : i32
      %lt3A_267 = arith.constant 128 : i32
      %lt3A_268 = arith.cmpi slt, %add3A_266, %lt3A_267 : i32
      %convert_element_type3A = arith.extui %lt3A_268 : i1 to i32
      %cond3A = arith.constant 0 : i32
      %cond3A_269 = arith.cmpi ne, %convert_element_type3A, %cond3A : i32
      scf.if %cond3A_269 {
        %add3A_270 = arith.constant 2 : i32
        %add3A_271 = arith.addi %scan3A_198, %add3A_270 : i32
        %jit3A_272 = arith.constant 4 : i32
        %eq3A_273 = arith.constant 0 : i32
        %eq3A_274 = arith.cmpi eq, %jit3A_272, %eq3A_273 : i32
        %jit3A_275 = arith.constant 1 : i32
        %select_n3A_276 = arith.select %eq3A_274, %jit3A_275, %jit3A_272 : i32
        %rem3A_277 = arith.remsi %add3A_271, %select_n3A_276 : i32
        %ne3A_278 = arith.constant 0 : i32
        %ne3A_279 = arith.cmpi ne, %rem3A_277, %ne3A_278 : i32
        %lt3A_280 = arith.constant 0 : i32
        %lt3A_281 = arith.cmpi slt, %rem3A_277, %lt3A_280 : i32
        %lt3A_282 = arith.constant 0 : i32
        %lt3A_283 = arith.cmpi slt, %select_n3A_276, %lt3A_282 : i32
        %ne3A_284 = arith.xori %lt3A_281, %lt3A_283 : i1
        %and3A_285 = arith.andi %ne3A_284, %ne3A_279 : i1
        %add3A_286 = arith.addi %rem3A_277, %select_n3A_276 : i32
        %select_n3A_287 = arith.select %and3A_285, %add3A_286, %rem3A_277 : i32
        %add3A_288 = arith.constant 2 : i32
        %add3A_289 = arith.addi %scan3A_198, %add3A_288 : i32
        %ge3A = arith.constant 4 : i32
        %ge3A_290 = arith.cmpi sge, %add3A_289, %ge3A : i32
        %convert_element_type3A_291 = arith.extui %ge3A_290 : i1 to i32
        %cond3A_292 = arith.constant 0 : i32
        %cond3A_293 = arith.cmpi ne, %convert_element_type3A_291, %cond3A_292 : i32
        scf.if %cond3A_293 {
          %add3A_322 = arith.constant 2 : i32
          %add3A_323 = arith.addi %scan3A_198, %add3A_322 : i32
          %sub3A = arith.constant 4 : i32
          %sub3A_324 = arith.subi %add3A_323, %sub3A : i32
          %mul3A_325 = arith.constant 128 : i32
          %mul3A_326 = arith.muli %add3A, %mul3A_325 : i32
          %add3A_327 = arith.addi %mul3A_326, %sub3A_324 : i32
          %dma_wait3A_328 = arith.constant 0 : i32
          %dma_wait3A_329 = arith.constant 0 : i32
          %dma_wait3A_330 = tpu.memref_slice %arg5[%add3A_327, %dma_wait3A_328, %dma_wait3A_329] : memref<4096x200x128xf32, #tpu.memory_space<hbm>> -> memref<1x200x64xf32, #tpu.memory_space<hbm>>
          %dma_wait3A_331 = tpu.memref_squeeze %dma_wait3A_330 : memref<1x200x64xf32, #tpu.memory_space<hbm>> -> memref<200x64xf32, #tpu.memory_space<hbm>>
          %dma_wait3A_332 = tpu.memref_slice %arg11[%select_n3A_287] : memref<4x!tpu.dma_semaphore, #tpu.memory_space<semaphore_mem>> -> memref<1x!tpu.dma_semaphore, #tpu.memory_space<semaphore_mem>>
          %dma_wait3A_333 = tpu.memref_squeeze %dma_wait3A_332 : memref<1x!tpu.dma_semaphore, #tpu.memory_space<semaphore_mem>> -> memref<!tpu.dma_semaphore, #tpu.memory_space<semaphore_mem>>
          %dma_wait3A_334 = arith.constant 0 : i32
          %dma_wait3A_335 = arith.constant 0 : i32
          %dma_wait3A_336 = tpu.memref_slice %arg5[%add3A_327, %dma_wait3A_334, %dma_wait3A_335] : memref<4096x200x128xf32, #tpu.memory_space<hbm>> -> memref<1x200x64xf32, #tpu.memory_space<hbm>>
          %dma_wait3A_337 = tpu.memref_squeeze %dma_wait3A_336 : memref<1x200x64xf32, #tpu.memory_space<hbm>> -> memref<200x64xf32, #tpu.memory_space<hbm>>
          tpu.wait_dma2 semaphore(%dma_wait3A_333 : memref<!tpu.dma_semaphore, #tpu.memory_space<semaphore_mem>>) src(%arg7 : memref<200x64xf32, #tpu.memory_space<vmem>>) dst(%dma_wait3A_337 : memref<200x64xf32, #tpu.memory_space<hbm>>)
          %dma_wait3A_338 = arith.constant 0 : i32
          %dma_wait3A_339 = arith.constant 0 : i32
          %dma_wait3A_340 = tpu.memref_slice %arg8[%select_n3A_287, %dma_wait3A_338, %dma_wait3A_339] : memref<4x200x64xf32, #tpu.memory_space<vmem>> -> memref<1x200x64xf32, #tpu.memory_space<vmem>>
          %dma_wait3A_341 = tpu.memref_squeeze %dma_wait3A_340 : memref<1x200x64xf32, #tpu.memory_space<vmem>> -> memref<200x64xf32, #tpu.memory_space<vmem>>
          %dma_wait3A_342 = arith.constant 0 : i32
          %dma_wait3A_343 = arith.constant 64 : i32
          %dma_wait3A_344 = tpu.memref_slice %arg5[%add3A_327, %dma_wait3A_342, %dma_wait3A_343] : memref<4096x200x128xf32, #tpu.memory_space<hbm>> -> memref<1x200x64xf32, #tpu.memory_space<hbm>>
          %dma_wait3A_345 = tpu.memref_squeeze %dma_wait3A_344 : memref<1x200x64xf32, #tpu.memory_space<hbm>> -> memref<200x64xf32, #tpu.memory_space<hbm>>
          %dma_wait3A_346 = tpu.memref_slice %arg10[%select_n3A_287] : memref<4x!tpu.dma_semaphore, #tpu.memory_space<semaphore_mem>> -> memref<1x!tpu.dma_semaphore, #tpu.memory_space<semaphore_mem>>
          %dma_wait3A_347 = tpu.memref_squeeze %dma_wait3A_346 : memref<1x!tpu.dma_semaphore, #tpu.memory_space<semaphore_mem>> -> memref<!tpu.dma_semaphore, #tpu.memory_space<semaphore_mem>>
          %dma_wait3A_348 = arith.constant 0 : i32
          %dma_wait3A_349 = arith.constant 64 : i32
          %dma_wait3A_350 = tpu.memref_slice %arg5[%add3A_327, %dma_wait3A_348, %dma_wait3A_349] : memref<4096x200x128xf32, #tpu.memory_space<hbm>> -> memref<1x200x64xf32, #tpu.memory_space<hbm>>
          %dma_wait3A_351 = tpu.memref_squeeze %dma_wait3A_350 : memref<1x200x64xf32, #tpu.memory_space<hbm>> -> memref<200x64xf32, #tpu.memory_space<hbm>>
          %dma_wait3A_352 = arith.constant 0 : i32
          %dma_wait3A_353 = arith.constant 0 : i32
          %dma_wait3A_354 = tpu.memref_slice %arg8[%select_n3A_287, %dma_wait3A_352, %dma_wait3A_353] : memref<4x200x64xf32, #tpu.memory_space<vmem>> -> memref<1x200x64xf32, #tpu.memory_space<vmem>>
          %dma_wait3A_355 = tpu.memref_squeeze %dma_wait3A_354 : memref<1x200x64xf32, #tpu.memory_space<vmem>> -> memref<200x64xf32, #tpu.memory_space<vmem>>
          tpu.wait_dma2 semaphore(%dma_wait3A_347 : memref<!tpu.dma_semaphore, #tpu.memory_space<semaphore_mem>>) src(%dma_wait3A_355 : memref<200x64xf32, #tpu.memory_space<vmem>>) dst(%dma_wait3A_351 : memref<200x64xf32, #tpu.memory_space<hbm>>)
        } else {
        }
        %add3A_294 = arith.constant 2 : i32
        %add3A_295 = arith.addi %scan3A_198, %add3A_294 : i32
        %mul3A_296 = arith.constant 200 : i32
        %mul3A_297 = arith.muli %add3A_295, %mul3A_296 : i32
        %dma_start3A_298 = arith.constant 0 : i32
        %dma_start3A_299 = arith.constant 0 : i32
        %dma_start3A_300 = tpu.memref_slice %arg8[%select_n3A_287, %dma_start3A_298, %dma_start3A_299] : memref<4x200x64xf32, #tpu.memory_space<vmem>> -> memref<1x104x64xf32, #tpu.memory_space<vmem>>
        %dma_start3A_301 = tpu.memref_squeeze %dma_start3A_300 : memref<1x104x64xf32, #tpu.memory_space<vmem>> -> memref<104x64xf32, #tpu.memory_space<vmem>>
        %dma_start3A_302 = tpu.memref_slice %arg6[%mul3A_297] : memref<25600xi32, #tpu.memory_space<vmem>> -> memref<104xi32, #tpu.memory_space<vmem>>
        %dma_start3A_303 = arith.constant 0 : i32
        %dma_start3A_304 = arith.constant 0 : i32
        %dma_start3A_305 = tpu.memref_slice %arg3[%dma_start3A_303, %dma_start3A_304] : memref<2000000x64xf32, #tpu.memory_space<hbm>> -> memref<2000000x64xf32, #tpu.memory_space<hbm>>
        %dma_start3A_306 = tpu.memref_slice %arg9[%select_n3A_287] : memref<4x!tpu.dma_semaphore, #tpu.memory_space<semaphore_mem>> -> memref<1x!tpu.dma_semaphore, #tpu.memory_space<semaphore_mem>>
        %dma_start3A_307 = tpu.memref_squeeze %dma_start3A_306 : memref<1x!tpu.dma_semaphore, #tpu.memory_space<semaphore_mem>> -> memref<!tpu.dma_semaphore, #tpu.memory_space<semaphore_mem>>
        tpu.enqueue_indirect_dma source(%dma_start3A_305 : memref<2000000x64xf32, #tpu.memory_space<hbm>>) target(%dma_start3A_301 : memref<104x64xf32, #tpu.memory_space<vmem>>) offsets(%dma_start3A_302 : memref<104xi32, #tpu.memory_space<vmem>>) semaphore(%dma_start3A_307 : memref<!tpu.dma_semaphore, #tpu.memory_space<semaphore_mem>>)
        %mul3A_308 = arith.constant 200 : i32
        %mul3A_309 = arith.muli %add3A_295, %mul3A_308 : i32
        %add3A_310 = arith.constant 104 : i32
        %add3A_311 = arith.addi %mul3A_309, %add3A_310 : i32
        %dma_start3A_312 = arith.constant 104 : i32
        %dma_start3A_313 = arith.constant 0 : i32
        %dma_start3A_314 = tpu.memref_slice %arg8[%select_n3A_287, %dma_start3A_312, %dma_start3A_313] : memref<4x200x64xf32, #tpu.memory_space<vmem>> -> memref<1x96x64xf32, #tpu.memory_space<vmem>>
        %dma_start3A_315 = tpu.memref_squeeze %dma_start3A_314 : memref<1x96x64xf32, #tpu.memory_space<vmem>> -> memref<96x64xf32, #tpu.memory_space<vmem>>
        %dma_start3A_316 = tpu.memref_slice %arg6[%add3A_311] : memref<25600xi32, #tpu.memory_space<vmem>> -> memref<96xi32, #tpu.memory_space<vmem>>
        %dma_start3A_317 = arith.constant 0 : i32
        %dma_start3A_318 = arith.constant 0 : i32
        %dma_start3A_319 = tpu.memref_slice %arg3[%dma_start3A_317, %dma_start3A_318] : memref<2000000x64xf32, #tpu.memory_space<hbm>> -> memref<2000000x64xf32, #tpu.memory_space<hbm>>
        %dma_start3A_320 = tpu.memref_slice %arg9[%select_n3A_287] : memref<4x!tpu.dma_semaphore, #tpu.memory_space<semaphore_mem>> -> memref<1x!tpu.dma_semaphore, #tpu.memory_space<semaphore_mem>>
        %dma_start3A_321 = tpu.memref_squeeze %dma_start3A_320 : memref<1x!tpu.dma_semaphore, #tpu.memory_space<semaphore_mem>> -> memref<!tpu.dma_semaphore, #tpu.memory_space<semaphore_mem>>
        tpu.enqueue_indirect_dma source(%dma_start3A_319 : memref<2000000x64xf32, #tpu.memory_space<hbm>>) target(%dma_start3A_315 : memref<96x64xf32, #tpu.memory_space<vmem>>) offsets(%dma_start3A_316 : memref<96xi32, #tpu.memory_space<vmem>>) semaphore(%dma_start3A_321 : memref<!tpu.dma_semaphore, #tpu.memory_space<semaphore_mem>>)
      } else {
      }
    }
    %scan3A_58 = arith.constant 128 : i32
    %mul3A_59 = arith.constant 128 : i32
    %mul3A_60 = arith.muli %add3A, %mul3A_59 : i32
    %add3A_61 = arith.constant 124 : i32
    %add3A_62 = arith.addi %mul3A_60, %add3A_61 : i32
    %dma_wait3A = arith.constant 0 : i32
    %dma_wait3A_63 = arith.constant 0 : i32
    %dma_wait3A_64 = arith.constant 0 : i32
    %dma_wait3A_65 = tpu.memref_slice %arg5[%add3A_62, %dma_wait3A_63, %dma_wait3A_64] : memref<4096x200x128xf32, #tpu.memory_space<hbm>> -> memref<1x200x64xf32, #tpu.memory_space<hbm>>
    %dma_wait3A_66 = tpu.memref_squeeze %dma_wait3A_65 : memref<1x200x64xf32, #tpu.memory_space<hbm>> -> memref<200x64xf32, #tpu.memory_space<hbm>>
    %dma_wait3A_67 = tpu.memref_slice %arg11[%dma_wait3A] : memref<4x!tpu.dma_semaphore, #tpu.memory_space<semaphore_mem>> -> memref<1x!tpu.dma_semaphore, #tpu.memory_space<semaphore_mem>>
    %dma_wait3A_68 = tpu.memref_squeeze %dma_wait3A_67 : memref<1x!tpu.dma_semaphore, #tpu.memory_space<semaphore_mem>> -> memref<!tpu.dma_semaphore, #tpu.memory_space<semaphore_mem>>
    %dma_wait3A_69 = arith.constant 0 : i32
    %dma_wait3A_70 = arith.constant 0 : i32
    %dma_wait3A_71 = tpu.memref_slice %arg5[%add3A_62, %dma_wait3A_69, %dma_wait3A_70] : memref<4096x200x128xf32, #tpu.memory_space<hbm>> -> memref<1x200x64xf32, #tpu.memory_space<hbm>>
    %dma_wait3A_72 = tpu.memref_squeeze %dma_wait3A_71 : memref<1x200x64xf32, #tpu.memory_space<hbm>> -> memref<200x64xf32, #tpu.memory_space<hbm>>
    tpu.wait_dma2 semaphore(%dma_wait3A_68 : memref<!tpu.dma_semaphore, #tpu.memory_space<semaphore_mem>>) src(%arg7 : memref<200x64xf32, #tpu.memory_space<vmem>>) dst(%dma_wait3A_72 : memref<200x64xf32, #tpu.memory_space<hbm>>)
    %dma_wait3A_73 = arith.constant 0 : i32
    %dma_wait3A_74 = arith.constant 0 : i32
    %dma_wait3A_75 = arith.constant 0 : i32
    %dma_wait3A_76 = arith.constant 0 : i32
    %dma_wait3A_77 = tpu.memref_slice %arg8[%dma_wait3A_73, %dma_wait3A_75, %dma_wait3A_76] : memref<4x200x64xf32, #tpu.memory_space<vmem>> -> memref<1x200x64xf32, #tpu.memory_space<vmem>>
    %dma_wait3A_78 = tpu.memref_squeeze %dma_wait3A_77 : memref<1x200x64xf32, #tpu.memory_space<vmem>> -> memref<200x64xf32, #tpu.memory_space<vmem>>
    %dma_wait3A_79 = arith.constant 0 : i32
    %dma_wait3A_80 = arith.constant 64 : i32
    %dma_wait3A_81 = tpu.memref_slice %arg5[%add3A_62, %dma_wait3A_79, %dma_wait3A_80] : memref<4096x200x128xf32, #tpu.memory_space<hbm>> -> memref<1x200x64xf32, #tpu.memory_space<hbm>>
    %dma_wait3A_82 = tpu.memref_squeeze %dma_wait3A_81 : memref<1x200x64xf32, #tpu.memory_space<hbm>> -> memref<200x64xf32, #tpu.memory_space<hbm>>
    %dma_wait3A_83 = tpu.memref_slice %arg10[%dma_wait3A_74] : memref<4x!tpu.dma_semaphore, #tpu.memory_space<semaphore_mem>> -> memref<1x!tpu.dma_semaphore, #tpu.memory_space<semaphore_mem>>
    %dma_wait3A_84 = tpu.memref_squeeze %dma_wait3A_83 : memref<1x!tpu.dma_semaphore, #tpu.memory_space<semaphore_mem>> -> memref<!tpu.dma_semaphore, #tpu.memory_space<semaphore_mem>>
    %dma_wait3A_85 = arith.constant 0 : i32
    %dma_wait3A_86 = arith.constant 64 : i32
    %dma_wait3A_87 = tpu.memref_slice %arg5[%add3A_62, %dma_wait3A_85, %dma_wait3A_86] : memref<4096x200x128xf32, #tpu.memory_space<hbm>> -> memref<1x200x64xf32, #tpu.memory_space<hbm>>
    %dma_wait3A_88 = tpu.memref_squeeze %dma_wait3A_87 : memref<1x200x64xf32, #tpu.memory_space<hbm>> -> memref<200x64xf32, #tpu.memory_space<hbm>>
    %dma_wait3A_89 = arith.constant 0 : i32
    %dma_wait3A_90 = arith.constant 0 : i32
    %dma_wait3A_91 = tpu.memref_slice %arg8[%dma_wait3A_73, %dma_wait3A_89, %dma_wait3A_90] : memref<4x200x64xf32, #tpu.memory_space<vmem>> -> memref<1x200x64xf32, #tpu.memory_space<vmem>>
    %dma_wait3A_92 = tpu.memref_squeeze %dma_wait3A_91 : memref<1x200x64xf32, #tpu.memory_space<vmem>> -> memref<200x64xf32, #tpu.memory_space<vmem>>
    tpu.wait_dma2 semaphore(%dma_wait3A_84 : memref<!tpu.dma_semaphore, #tpu.memory_space<semaphore_mem>>) src(%dma_wait3A_92 : memref<200x64xf32, #tpu.memory_space<vmem>>) dst(%dma_wait3A_88 : memref<200x64xf32, #tpu.memory_space<hbm>>)
    %mul3A_93 = arith.constant 128 : i32
    %mul3A_94 = arith.muli %add3A, %mul3A_93 : i32
    %add3A_95 = arith.constant 125 : i32
    %add3A_96 = arith.addi %mul3A_94, %add3A_95 : i32
    %dma_wait3A_97 = arith.constant 1 : i32
    %dma_wait3A_98 = arith.constant 0 : i32
    %dma_wait3A_99 = arith.constant 0 : i32
    %dma_wait3A_100 = tpu.memref_slice %arg5[%add3A_96, %dma_wait3A_98, %dma_wait3A_99] : memref<4096x200x128xf32, #tpu.memory_space<hbm>> -> memref<1x200x64xf32, #tpu.memory_space<hbm>>
    %dma_wait3A_101 = tpu.memref_squeeze %dma_wait3A_100 : memref<1x200x64xf32, #tpu.memory_space<hbm>> -> memref<200x64xf32, #tpu.memory_space<hbm>>
    %dma_wait3A_102 = tpu.memref_slice %arg11[%dma_wait3A_97] : memref<4x!tpu.dma_semaphore, #tpu.memory_space<semaphore_mem>> -> memref<1x!tpu.dma_semaphore, #tpu.memory_space<semaphore_mem>>
    %dma_wait3A_103 = tpu.memref_squeeze %dma_wait3A_102 : memref<1x!tpu.dma_semaphore, #tpu.memory_space<semaphore_mem>> -> memref<!tpu.dma_semaphore, #tpu.memory_space<semaphore_mem>>
    %dma_wait3A_104 = arith.constant 0 : i32
    %dma_wait3A_105 = arith.constant 0 : i32
    %dma_wait3A_106 = tpu.memref_slice %arg5[%add3A_96, %dma_wait3A_104, %dma_wait3A_105] : memref<4096x200x128xf32, #tpu.memory_space<hbm>> -> memref<1x200x64xf32, #tpu.memory_space<hbm>>
    %dma_wait3A_107 = tpu.memref_squeeze %dma_wait3A_106 : memref<1x200x64xf32, #tpu.memory_space<hbm>> -> memref<200x64xf32, #tpu.memory_space<hbm>>
    tpu.wait_dma2 semaphore(%dma_wait3A_103 : memref<!tpu.dma_semaphore, #tpu.memory_space<semaphore_mem>>) src(%arg7 : memref<200x64xf32, #tpu.memory_space<vmem>>) dst(%dma_wait3A_107 : memref<200x64xf32, #tpu.memory_space<hbm>>)
    %dma_wait3A_108 = arith.constant 1 : i32
    %dma_wait3A_109 = arith.constant 1 : i32
    %dma_wait3A_110 = arith.constant 0 : i32
    %dma_wait3A_111 = arith.constant 0 : i32
    %dma_wait3A_112 = tpu.memref_slice %arg8[%dma_wait3A_108, %dma_wait3A_110, %dma_wait3A_111] : memref<4x200x64xf32, #tpu.memory_space<vmem>> -> memref<1x200x64xf32, #tpu.memory_space<vmem>>
    %dma_wait3A_113 = tpu.memref_squeeze %dma_wait3A_112 : memref<1x200x64xf32, #tpu.memory_space<vmem>> -> memref<200x64xf32, #tpu.memory_space<vmem>>
    %dma_wait3A_114 = arith.constant 0 : i32
    %dma_wait3A_115 = arith.constant 64 : i32
    %dma_wait3A_116 = tpu.memref_slice %arg5[%add3A_96, %dma_wait3A_114, %dma_wait3A_115] : memref<4096x200x128xf32, #tpu.memory_space<hbm>> -> memref<1x200x64xf32, #tpu.memory_space<hbm>>
    %dma_wait3A_117 = tpu.memref_squeeze %dma_wait3A_116 : memref<1x200x64xf32, #tpu.memory_space<hbm>> -> memref<200x64xf32, #tpu.memory_space<hbm>>
    %dma_wait3A_118 = tpu.memref_slice %arg10[%dma_wait3A_109] : memref<4x!tpu.dma_semaphore, #tpu.memory_space<semaphore_mem>> -> memref<1x!tpu.dma_semaphore, #tpu.memory_space<semaphore_mem>>
    %dma_wait3A_119 = tpu.memref_squeeze %dma_wait3A_118 : memref<1x!tpu.dma_semaphore, #tpu.memory_space<semaphore_mem>> -> memref<!tpu.dma_semaphore, #tpu.memory_space<semaphore_mem>>
    %dma_wait3A_120 = arith.constant 0 : i32
    %dma_wait3A_121 = arith.constant 64 : i32
    %dma_wait3A_122 = tpu.memref_slice %arg5[%add3A_96, %dma_wait3A_120, %dma_wait3A_121] : memref<4096x200x128xf32, #tpu.memory_space<hbm>> -> memref<1x200x64xf32, #tpu.memory_space<hbm>>
    %dma_wait3A_123 = tpu.memref_squeeze %dma_wait3A_122 : memref<1x200x64xf32, #tpu.memory_space<hbm>> -> memref<200x64xf32, #tpu.memory_space<hbm>>
    %dma_wait3A_124 = arith.constant 0 : i32
    %dma_wait3A_125 = arith.constant 0 : i32
    %dma_wait3A_126 = tpu.memref_slice %arg8[%dma_wait3A_108, %dma_wait3A_124, %dma_wait3A_125] : memref<4x200x64xf32, #tpu.memory_space<vmem>> -> memref<1x200x64xf32, #tpu.memory_space<vmem>>
    %dma_wait3A_127 = tpu.memref_squeeze %dma_wait3A_126 : memref<1x200x64xf32, #tpu.memory_space<vmem>> -> memref<200x64xf32, #tpu.memory_space<vmem>>
    tpu.wait_dma2 semaphore(%dma_wait3A_119 : memref<!tpu.dma_semaphore, #tpu.memory_space<semaphore_mem>>) src(%dma_wait3A_127 : memref<200x64xf32, #tpu.memory_space<vmem>>) dst(%dma_wait3A_123 : memref<200x64xf32, #tpu.memory_space<hbm>>)
    %mul3A_128 = arith.constant 128 : i32
    %mul3A_129 = arith.muli %add3A, %mul3A_128 : i32
    %add3A_130 = arith.constant 126 : i32
    %add3A_131 = arith.addi %mul3A_129, %add3A_130 : i32
    %dma_wait3A_132 = arith.constant 2 : i32
    %dma_wait3A_133 = arith.constant 0 : i32
    %dma_wait3A_134 = arith.constant 0 : i32
    %dma_wait3A_135 = tpu.memref_slice %arg5[%add3A_131, %dma_wait3A_133, %dma_wait3A_134] : memref<4096x200x128xf32, #tpu.memory_space<hbm>> -> memref<1x200x64xf32, #tpu.memory_space<hbm>>
    %dma_wait3A_136 = tpu.memref_squeeze %dma_wait3A_135 : memref<1x200x64xf32, #tpu.memory_space<hbm>> -> memref<200x64xf32, #tpu.memory_space<hbm>>
    %dma_wait3A_137 = tpu.memref_slice %arg11[%dma_wait3A_132] : memref<4x!tpu.dma_semaphore, #tpu.memory_space<semaphore_mem>> -> memref<1x!tpu.dma_semaphore, #tpu.memory_space<semaphore_mem>>
    %dma_wait3A_138 = tpu.memref_squeeze %dma_wait3A_137 : memref<1x!tpu.dma_semaphore, #tpu.memory_space<semaphore_mem>> -> memref<!tpu.dma_semaphore, #tpu.memory_space<semaphore_mem>>
    %dma_wait3A_139 = arith.constant 0 : i32
    %dma_wait3A_140 = arith.constant 0 : i32
    %dma_wait3A_141 = tpu.memref_slice %arg5[%add3A_131, %dma_wait3A_139, %dma_wait3A_140] : memref<4096x200x128xf32, #tpu.memory_space<hbm>> -> memref<1x200x64xf32, #tpu.memory_space<hbm>>
    %dma_wait3A_142 = tpu.memref_squeeze %dma_wait3A_141 : memref<1x200x64xf32, #tpu.memory_space<hbm>> -> memref<200x64xf32, #tpu.memory_space<hbm>>
    tpu.wait_dma2 semaphore(%dma_wait3A_138 : memref<!tpu.dma_semaphore, #tpu.memory_space<semaphore_mem>>) src(%arg7 : memref<200x64xf32, #tpu.memory_space<vmem>>) dst(%dma_wait3A_142 : memref<200x64xf32, #tpu.memory_space<hbm>>)
    %dma_wait3A_143 = arith.constant 2 : i32
    %dma_wait3A_144 = arith.constant 2 : i32
    %dma_wait3A_145 = arith.constant 0 : i32
    %dma_wait3A_146 = arith.constant 0 : i32
    %dma_wait3A_147 = tpu.memref_slice %arg8[%dma_wait3A_143, %dma_wait3A_145, %dma_wait3A_146] : memref<4x200x64xf32, #tpu.memory_space<vmem>> -> memref<1x200x64xf32, #tpu.memory_space<vmem>>
    %dma_wait3A_148 = tpu.memref_squeeze %dma_wait3A_147 : memref<1x200x64xf32, #tpu.memory_space<vmem>> -> memref<200x64xf32, #tpu.memory_space<vmem>>
    %dma_wait3A_149 = arith.constant 0 : i32
    %dma_wait3A_150 = arith.constant 64 : i32
    %dma_wait3A_151 = tpu.memref_slice %arg5[%add3A_131, %dma_wait3A_149, %dma_wait3A_150] : memref<4096x200x128xf32, #tpu.memory_space<hbm>> -> memref<1x200x64xf32, #tpu.memory_space<hbm>>
    %dma_wait3A_152 = tpu.memref_squeeze %dma_wait3A_151 : memref<1x200x64xf32, #tpu.memory_space<hbm>> -> memref<200x64xf32, #tpu.memory_space<hbm>>
    %dma_wait3A_153 = tpu.memref_slice %arg10[%dma_wait3A_144] : memref<4x!tpu.dma_semaphore, #tpu.memory_space<semaphore_mem>> -> memref<1x!tpu.dma_semaphore, #tpu.memory_space<semaphore_mem>>
    %dma_wait3A_154 = tpu.memref_squeeze %dma_wait3A_153 : memref<1x!tpu.dma_semaphore, #tpu.memory_space<semaphore_mem>> -> memref<!tpu.dma_semaphore, #tpu.memory_space<semaphore_mem>>
    %dma_wait3A_155 = arith.constant 0 : i32
    %dma_wait3A_156 = arith.constant 64 : i32
    %dma_wait3A_157 = tpu.memref_slice %arg5[%add3A_131, %dma_wait3A_155, %dma_wait3A_156] : memref<4096x200x128xf32, #tpu.memory_space<hbm>> -> memref<1x200x64xf32, #tpu.memory_space<hbm>>
    %dma_wait3A_158 = tpu.memref_squeeze %dma_wait3A_157 : memref<1x200x64xf32, #tpu.memory_space<hbm>> -> memref<200x64xf32, #tpu.memory_space<hbm>>
    %dma_wait3A_159 = arith.constant 0 : i32
    %dma_wait3A_160 = arith.constant 0 : i32
    %dma_wait3A_161 = tpu.memref_slice %arg8[%dma_wait3A_143, %dma_wait3A_159, %dma_wait3A_160] : memref<4x200x64xf32, #tpu.memory_space<vmem>> -> memref<1x200x64xf32, #tpu.memory_space<vmem>>
    %dma_wait3A_162 = tpu.memref_squeeze %dma_wait3A_161 : memref<1x200x64xf32, #tpu.memory_space<vmem>> -> memref<200x64xf32, #tpu.memory_space<vmem>>
    tpu.wait_dma2 semaphore(%dma_wait3A_154 : memref<!tpu.dma_semaphore, #tpu.memory_space<semaphore_mem>>) src(%dma_wait3A_162 : memref<200x64xf32, #tpu.memory_space<vmem>>) dst(%dma_wait3A_158 : memref<200x64xf32, #tpu.memory_space<hbm>>)
    %mul3A_163 = arith.constant 128 : i32
    %mul3A_164 = arith.muli %add3A, %mul3A_163 : i32
    %add3A_165 = arith.constant 127 : i32
    %add3A_166 = arith.addi %mul3A_164, %add3A_165 : i32
    %dma_wait3A_167 = arith.constant 3 : i32
    %dma_wait3A_168 = arith.constant 0 : i32
    %dma_wait3A_169 = arith.constant 0 : i32
    %dma_wait3A_170 = tpu.memref_slice %arg5[%add3A_166, %dma_wait3A_168, %dma_wait3A_169] : memref<4096x200x128xf32, #tpu.memory_space<hbm>> -> memref<1x200x64xf32, #tpu.memory_space<hbm>>
    %dma_wait3A_171 = tpu.memref_squeeze %dma_wait3A_170 : memref<1x200x64xf32, #tpu.memory_space<hbm>> -> memref<200x64xf32, #tpu.memory_space<hbm>>
    %dma_wait3A_172 = tpu.memref_slice %arg11[%dma_wait3A_167] : memref<4x!tpu.dma_semaphore, #tpu.memory_space<semaphore_mem>> -> memref<1x!tpu.dma_semaphore, #tpu.memory_space<semaphore_mem>>
    %dma_wait3A_173 = tpu.memref_squeeze %dma_wait3A_172 : memref<1x!tpu.dma_semaphore, #tpu.memory_space<semaphore_mem>> -> memref<!tpu.dma_semaphore, #tpu.memory_space<semaphore_mem>>
    %dma_wait3A_174 = arith.constant 0 : i32
    %dma_wait3A_175 = arith.constant 0 : i32
    %dma_wait3A_176 = tpu.memref_slice %arg5[%add3A_166, %dma_wait3A_174, %dma_wait3A_175] : memref<4096x200x128xf32, #tpu.memory_space<hbm>> -> memref<1x200x64xf32, #tpu.memory_space<hbm>>
    %dma_wait3A_177 = tpu.memref_squeeze %dma_wait3A_176 : memref<1x200x64xf32, #tpu.memory_space<hbm>> -> memref<200x64xf32, #tpu.memory_space<hbm>>
    tpu.wait_dma2 semaphore(%dma_wait3A_173 : memref<!tpu.dma_semaphore, #tpu.memory_space<semaphore_mem>>) src(%arg7 : memref<200x64xf32, #tpu.memory_space<vmem>>) dst(%dma_wait3A_177 : memref<200x64xf32, #tpu.memory_space<hbm>>)
    %dma_wait3A_178 = arith.constant 3 : i32
    %dma_wait3A_179 = arith.constant 3 : i32
    %dma_wait3A_180 = arith.constant 0 : i32
    %dma_wait3A_181 = arith.constant 0 : i32
    %dma_wait3A_182 = tpu.memref_slice %arg8[%dma_wait3A_178, %dma_wait3A_180, %dma_wait3A_181] : memref<4x200x64xf32, #tpu.memory_space<vmem>> -> memref<1x200x64xf32, #tpu.memory_space<vmem>>
    %dma_wait3A_183 = tpu.memref_squeeze %dma_wait3A_182 : memref<1x200x64xf32, #tpu.memory_space<vmem>> -> memref<200x64xf32, #tpu.memory_space<vmem>>
    %dma_wait3A_184 = arith.constant 0 : i32
    %dma_wait3A_185 = arith.constant 64 : i32
    %dma_wait3A_186 = tpu.memref_slice %arg5[%add3A_166, %dma_wait3A_184, %dma_wait3A_185] : memref<4096x200x128xf32, #tpu.memory_space<hbm>> -> memref<1x200x64xf32, #tpu.memory_space<hbm>>
    %dma_wait3A_187 = tpu.memref_squeeze %dma_wait3A_186 : memref<1x200x64xf32, #tpu.memory_space<hbm>> -> memref<200x64xf32, #tpu.memory_space<hbm>>
    %dma_wait3A_188 = tpu.memref_slice %arg10[%dma_wait3A_179] : memref<4x!tpu.dma_semaphore, #tpu.memory_space<semaphore_mem>> -> memref<1x!tpu.dma_semaphore, #tpu.memory_space<semaphore_mem>>
    %dma_wait3A_189 = tpu.memref_squeeze %dma_wait3A_188 : memref<1x!tpu.dma_semaphore, #tpu.memory_space<semaphore_mem>> -> memref<!tpu.dma_semaphore, #tpu.memory_space<semaphore_mem>>
    %dma_wait3A_190 = arith.constant 0 : i32
    %dma_wait3A_191 = arith.constant 64 : i32
    %dma_wait3A_192 = tpu.memref_slice %arg5[%add3A_166, %dma_wait3A_190, %dma_wait3A_191] : memref<4096x200x128xf32, #tpu.memory_space<hbm>> -> memref<1x200x64xf32, #tpu.memory_space<hbm>>
    %dma_wait3A_193 = tpu.memref_squeeze %dma_wait3A_192 : memref<1x200x64xf32, #tpu.memory_space<hbm>> -> memref<200x64xf32, #tpu.memory_space<hbm>>
    %dma_wait3A_194 = arith.constant 0 : i32
    %dma_wait3A_195 = arith.constant 0 : i32
    %dma_wait3A_196 = tpu.memref_slice %arg8[%dma_wait3A_178, %dma_wait3A_194, %dma_wait3A_195] : memref<4x200x64xf32, #tpu.memory_space<vmem>> -> memref<1x200x64xf32, #tpu.memory_space<vmem>>
    %dma_wait3A_197 = tpu.memref_squeeze %dma_wait3A_196 : memref<1x200x64xf32, #tpu.memory_space<vmem>> -> memref<200x64xf32, #tpu.memory_space<vmem>>
    tpu.wait_dma2 semaphore(%dma_wait3A_189 : memref<!tpu.dma_semaphore, #tpu.memory_space<semaphore_mem>>) src(%dma_wait3A_197 : memref<200x64xf32, #tpu.memory_space<vmem>>) dst(%dma_wait3A_193 : memref<200x64xf32, #tpu.memory_space<hbm>>)
    return
  }
}

</mosaic_0001>

<sc_bundles>
// kernel: _run.3.cloned.1.call-start
scs
__scs_entry_jumppad:
0x0: {  	(pc) =	sbr.rel $0x88, $3  }
0x1: {  	(tag) =	ssettag $0x0;
	lr =	simm.s32 $0x1  }
0x2: {  	[smem:$0x3F9E] =	sst lr;
	_ =	strace $0xD0000000  }
0x3: {  	_ = 	snop  }
0x4: {  	_ = 	snop  }
0x5: {  	_ = 	snop  }
0x6: {  	_ = 	snop  }
0x7: {  	_ = 	snop  }
__scs_overlays_trampoline_lowered:
0x8: {  	[smem:$0x3FAD] =	sst s0  }
0x9: {  	[smem:$0x3FAE] =	sst s1  }
0xa: {  	[smem:$0x3FAF] =	sst s2  }
0xb: {  	[smem:$0x3FB0] =	sst s3  }
0xc: {  	[smem:$0x3FB1] =	sst s4  }
0xd: {  	[smem:$0x3FB2] =	sst s5  }
0xe: {  	[smem:$0x3FB3] =	sst s6  }
0xf: {  	[smem:$0x3FB4] =	sst s7  }
0x10: {  	[smem:$0x3FB5] =	sst s8  }
0x11: {  	[smem:$0x3FB6] =	sst s9;
	s0 =	simm.s32 @!p0 $0x0  }
0x12: {  	s1 =	sld [smem:$0x3F9C];
	s0 =	simm.s32 @p0 $0x1  }
0x13: {  	[smem:$0x3FB7] =	sst s0;
	s0 =	simm.s32 @!p1 $0x0  }
0x14: {  	s2 =	sld [smem:$0x3F9B];
	s0 =	simm.s32 @p1 $0x1  }
0x15: {  	[smem:$0x3FB8] =	sst s0;
	s0 =	simm.s32 @!p2 $0x0  }
0x16: {  	s3 =	sld [smem:$0x3FDB];
	s0 =	simm.s32 @p2 $0x1  }
0x17: {  	s4 =	simm.s32 $0x1BF5;
	[smem:$0x3FBA] =	sst s0  }
0x18: {  	s0 =	sld [smem:$0x3F9D];
	_ =	swait.ge [sflag:s4], $0x0  }
0x19: {  	s7 =	sld [smem:$0x3F9E]  }
0x1a: {  	s8 =	sadd.s32 $0xFFFFE003, lr  }
0x1b: {  	s9 =	sadd.s32 $0xFFFFFEF7, lr;
	s5 =	simm.s32 $0xFFFFFFFF;
	p2 =	slt.u32 s8, $0xFFFFF086  }
0x1c: {  	p1 =	slt.u32 s9, $0xF7A;
	s5 =	simm.s32 @!p2 $0x0  }
0x1d: {  	s5 =	simm.s32 @p1 $0x1;
	p0 =	seq.s32 s7, s2  }
0x1e: {  	s7 =	smul.u32 @!p0 $0xF7A, s2;
	p2 =	seq.s32 @!p0 s5, $0x0  }
0x1f: {  	s9 =	smul.u32 $0xF7A, s1;
	s8 =	simm.s32 @!p0 $0x1BF5;
	p2 =	por !p2, p0  }
0x20: {  	[sflag:s8] =	ssyncset.s32 @!p0 $0xFFFFF086;
	s6 =	sadd.s32 @!p0 s3, s7;
	s7 =	simm.s32 @!p0 $0x108  }
0x21: {  	s3 =	sadd.s32 s3, s9;
	s6 =	sadd.s32 @!p0 $0x88, s6;
	s7 =	simm.s32 @p2 $0x1082  }
0x22: {  	[simem:s7], [sflag:s8] =	dma.local @!p0 [hbm:s6], $0xF7A  }
0x23: {  	s9 =	sor.u32 $0xD0000000, s2;
	s6 =	simm.s32 $0x108;
	_ =	swait.ge @!p0 [sflag:s8], $0x0  }
0x24: {  	s3 =	sadd.s32 $0x88, s3;
	s6 =	simm.s32 @!p1 $0x1082;
	[sflag:s4] =	ssyncset.s32 $0xFFFFF086  }
0x25: {  	[simem:s6], [sflag:s4] =	dma.local [hbm:s3], $0xF7A  }
0x26: {  	[smem:$0x3F9E] =	sst s1;
	(tag) =	ssettag s2;
	_ =	strace s9  }
0x27: {  	s1 =	sld [smem:$0x3FAE]  }
0x28: {  	s2 =	sld [smem:$0x3FAF]  }
0x29: {  	s4 =	sld [smem:$0x3FB1]  }
0x2a: {  	p0 =	seq.s32 s5, $0x0;
	s5 =	sld [smem:$0x3FB2]  }
0x2b: {  	s6 =	sld [smem:$0x3FB3]  }
0x2c: {  	s7 =	sld [smem:$0x3FB4]  }
0x2d: {  	s3 =	simm.s32 $0x108;
	s8 =	sld [smem:$0x3FB5]  }
0x2e: {  	s3 =	simm.s32 @!p0 $0x1082;
	s9 =	sld [smem:$0x3FB6]  }
0x2f: {  	lr =	sadd.s32 s0, s3;
	s0 =	sld [smem:$0x3FAD]  }
0x30: {  	s3 =	sld [smem:$0x3FB0]  }
0x31: {  	[smem:$0x3FB9] =	sst s10  }
0x32: {  	s10 =	sld [smem:$0x3FB7];
	_ =	sdelay $0x3  }
0x33: {  	p0 =	seq.s32 s10, $0x1;
	s10 =	sld [smem:$0x3FB9];
	_ =	sdelay $0x3  }
0x34: {  	[smem:$0x3FB9] =	sst s10  }
0x35: {  	s10 =	sld [smem:$0x3FB8];
	_ =	sdelay $0x3  }
0x36: {  	p1 =	seq.s32 s10, $0x1;
	s10 =	sld [smem:$0x3FB9];
	_ =	sdelay $0x3  }
0x37: {  	[smem:$0x3FB9] =	sst s10  }
0x38: {  	s10 =	sld [smem:$0x3FBA]  }
0x39: {  	_ = 	snop;
	(pc) =	sbr.ind lr, $3  }
0x3a: {  	_ = 	snop  }
0x3b: {  	_ = 	snop  }
0x3c: {  	p2 =	seq.s32 s10, $0x1;
	s10 =	sld [smem:$0x3FB9]  }
0x3d: {  	_ =	shalt  }
0x3e: {  	_ =	shalt  }
0x3f: {  	_ =	shalt  }
0x40: {  	_ =	shalt  }
0x41: {  	_ =	shalt  }
0x42: {  	_ =	shalt  }
0x43: {  	_ =	shalt  }
0x44: {  	_ =	shalt  }
0x45: {  	_ =	shalt  }
0x46: {  	_ =	shalt  }
0x47: {  	_ =	shalt  }
0x48: {  	_ =	shalt  }
0x49: {  	_ =	shalt  }
0x4a: {  	_ =	shalt  }
0x4b: {  	_ =	shalt  }
0x4c: {  	_ =	shalt  }
0x4d: {  	_ =	shalt  }
0x4e: {  	_ =	shalt  }
0x4f: {  	_ =	shalt  }
0x50: {  	_ =	shalt  }
0x51: {  	_ =	shalt  }
0x52: {  	_ =	shalt  }
0x53: {  	_ =	shalt  }
0x54: {  	_ =	shalt  }
0x55: {  	_ =	shalt  }
0x56: {  	_ =	shalt  }
0x57: {  	_ =	shalt  }
0x58: {  	_ =	shalt  }
0x59: {  	_ =	shalt  }
0x5a: {  	_ =	shalt  }
0x5b: {  	_ =	shalt  }
0x5c: {  	_ =	shalt  }
0x5d: {  	_ =	shalt  }
0x5e: {  	_ =	shalt  }
0x5f: {  	_ =	shalt  }
0x60: {  	_ =	shalt  }
0x61: {  	_ =	shalt  }
0x62: {  	_ =	shalt  }
0x63: {  	_ =	shalt  }
0x64: {  	_ =	shalt  }
0x65: {  	_ =	shalt  }
0x66: {  	_ =	shalt  }
0x67: {  	_ =	shalt  }
0x68: {  	_ =	shalt  }
0x69: {  	_ =	shalt  }
0x6a: {  	_ =	shalt  }
0x6b: {  	_ =	shalt  }
0x6c: {  	_ =	shalt  }
0x6d: {  	_ =	shalt  }
0x6e: {  	_ =	shalt  }
0x6f: {  	_ =	shalt  }
0x70: {  	_ =	shalt  }
0x71: {  	_ =	shalt  }
0x72: {  	_ =	shalt  }
0x73: {  	_ =	shalt  }
0x74: {  	_ =	shalt  }
0x75: {  	_ =	shalt  }
0x76: {  	_ =	shalt  }
0x77: {  	_ =	shalt  }
0x78: {  	_ =	shalt  }
0x79: {  	_ =	shalt  }
0x7a: {  	_ =	shalt  }
0x7b: {  	_ =	shalt  }
0x7c: {  	_ =	shalt  }
0x7d: {  	_ =	shalt  }
0x7e: {  	_ =	shalt  }
0x7f: {  	_ =	shalt  }
0x80: {  	_ =	shalt  }
0x81: {  	_ =	shalt  }
0x82: {  	_ =	shalt  }
0x83: {  	_ =	shalt  }
0x84: {  	_ =	shalt  }
0x85: {  	_ =	shalt  }
0x86: {  	_ =	shalt  }
0x87: {  	_ =	shalt  }
.Lfunc_end0:
.L_simem_size_0:
called_computation.1_lowered:
.L_overlay_start_0:
0x88: {  	s2 =	sld [smem:$0x3FD9]  }
0x89: {  	s3 =	sld [smem:$0x3FFE];
	_ =	sdelay $0x1  }
0x8a: {  	s1 =	srdreg.scid  }
0x8b: {  	s0 =	sand.u32 $0x1, s1  }
0x8c: {  	s17 =	sshll.u32 s0, $0xA;
	s2 =	sadd.s32 s3, s2  }
0x8d: {  	s2 =	sadd.s32 s2, s17  }
0x8e: {  	[smem:$0x3FC5] =	sst s2  }
0x8f: {  	_ = 	snop  }
0x90: {  	s2 =	sld [smem:$0x3FD0];
	(tm) =	ssettm $0x1  }
0x91: {  	s18 =	sld [smem:$0x3FFB];
	_ =	sdelay $0x3  }
0x92: {  	_ =	strace s18  }
0x93: {  	s3 =	sld [smem:$0x3FFC];
	_ =	sdelay $0x3  }
0x94: {  	_ =	strace s3  }
0x95: {  	s3 =	sld [smem:$0x3FFD];
	_ =	sdelay $0x3  }
0x96: {  	_ =	strace s3  }
0x97: {  	_ =	strace $0x8FFFFFFF  }
0x98: {  	s19 =	sld [smem:$0x3FDB];
	_ =	sdelay $0x1  }
0x99: {  	s4 =	simm.s32 $_scs_section_size  }
0x9a: {  	s5 =	simm.s32 $_size__tile_overlayer_lowered;
	s6 =	simm.s32 $_tile_overlayer_lowered  }
0x9b: {  	s22 =	simm.s32 $0x1BFF;
	s21 =	sshll.u32 s6, $0x1;
	s3 =	sadd.s32 s4, s19  }
0x9c: {  	s7 =	simm.s32 $0x0;
	s20 =	sshll.u32 s5, $0x1;
	s5 =	sadd.s32 s21, s3  }
0x9d: {  	[timem:s7], [sflag:s22] =	dma.local [hbm:s5], s20  }
0x9e: {  	_ =	swait.ge [sflag:s22], s20  }
0x9f: {  	s4 =	ssub.s32 $0x0, s20;
	[sflag:s22] =	ssyncset.done $0x0  }
0xa0: {  	[sflag:s22] =	ssyncadd.s32 s4;
	_ =	sdelay $0x1  }
0xa1: {  	s23 =	simm.s32 $0x1B8B  }
0xa2: {  	_ =	swait.ge [sflag:s23], $0x1  }
0xa3: {  	[sflag:s23] =	ssyncset.done $0x0  }
0xa4: {  	s25 =	simm.s32 $0x1B8E;
	s24 =	sld [smem:$0x3FFE];
	[sflag:s23] =	ssyncadd.s32 $0xFFFFFFFF  }
0xa5: {  	s26 =	simm.s32 $execute0_lowered;
	[smem:$0x3FD2] =	sst s25  }
0xa6: {  	s5 =	sshll.u32 s26, $0x1;
	_ =	strace $0x80000049;
	[dreg:$0x1] =	wrdreg $0xFFFFFFFF  }
0xa7: {  	s28 =	simm.s32 $_size_execute0_lowered;
	s3 =	sadd.s32 s3, s5;
	[dreg:$0x0] =	wrdreg $0x0  }
0xa8: {  	s5 =	sshll.u32 s28, $0x1;
	[dreg:$0x2] =	wrdreg s3  }
0xa9: {  	[dreg:$0x3] =	wrdreg s5  }
0xaa: {  	[dreg:$0x4] =	wrdreg $0xC0  }
0xab: {  	_ =	task [dreg:s7], $0x5FFFF  }
0xac: {  	[dreg:$0x1] =	wrdreg $0xFFFFFFFF  }
0xad: {  	[dreg:$0x0] =	wrdreg $0x60  }
0xae: {  	[dreg:$0x2] =	wrdreg s24  }
0xaf: {  	[dreg:$0x3] =	wrdreg s2  }
0xb0: {  	[dreg:$0x4] =	wrdreg $0x9  }
0xb1: {  	_ =	task.clear_ibuf [dreg:s7], $0x5FFFF;
	_ =	strace $0x90000049  }
0xb2: {  	s29 =	simm.s32 $0x9;
	_ =	strace $0x8000004B  }
0xb3: {  	_ =	swait.ge [sflag:s29], $0x1  }
0xb4: {  	[sflag:s29] =	ssyncadd.s32 $0xFFFFFFFF  }
0xb5: {  	_ =	strace $0x9000004B  }
0xb6: {  	_ =	sfence  }
0xb7: {  	s30 =	sld [smem:$0x0];
	_ =	sdelay $0x2  }
0xb8: {  	s31 =	sshll.u32 s1, $0xD;
	s1 =	sshrl.u32 s1, $0x2  }
0xb9: {  	s3 =	sand.u32 $0x4000, s31;
	s1 =	sadd.s32 s1, s30  }
0xba: {  	s0 =	sor.u32 s3, s0;
	s1 =	sshll.u32 s1, $0x11  }
0xbb: {  	s0 =	sor.u32 s1, s0  }
0xbc: {  	s0 =	sadd.s32 $0x8F2B, s0  }
0xbd: {  	[sflag:s0] =	ssyncadd.remote.s32 $0x1  }
0xbe: {  	_ =	sfence.sel $0xFFFF  }
0xbf: {  	[dreg:$0x0] =	wrdreg $0xFFFFFFFF;
	(pc) =	sbr.abs _section_cstart, $3  }
0xc0: {  	[dreg:$0x1] =	wrdreg $0xFFFFFFFF  }
0xc1: {  	_ =	task.clear_ibuf [dreg:s7], $0x2FFFF;
	_ =	strace $0x9FFFFFFF  }
0xc2: {  	(tm) =	ssettm $0x7FFFFFFF  }
0xc3: {  	_ =	shalt  }
tec
execute0_lowered:
.L_overlay_start_1:
0x0: {  	(tag) =	ssettag $0x1  }
0x1: {  	s0 =	rddreg [dreg:$0x0]  }
0x2: {  	s1 =	srdreg.scid;
	s7 =	stileid.u32  }
0x3: {  	s2 =	rddreg [dreg:$0x1];
	s5 =	simm.s32 $0x0;
	s12 =	simm.s32 $0xD  }
0x4: {  	s13 =	simm.s32 $0x6400;
	s14 =	simm.s32 $0x68;
	s16 =	simm.s32 $0x60  }
0x5: {  	s30 =	simm.s32 $0x2;
	s28 =	simm.s32 $0x7;
	s29 =	simm.s32 $0xC  }
0x6: {  	s1 =	sand.u32 $0x1, s1;
	s3 =	sshll.u32 s7, $0x1;
	s22 =	smul.u32 $0xC8000, s7  }
0x7: {  	s31 =	simm.s32 $0x8;
	s4 =	sor.u32 s1, s3;
	s24 =	smul.u32 $0x64000, s1  }
0x8: {  	[smem:$0x7FF] =	sst s5;
	s23 =	sadd.s32 $0x8, s2;
	s3 =	smul.u32 $0xC80, s4  }
0x9: {  	_ =	strace $0x8000004A;
	s6 =	ssub.s32 $0x2, s1;
	s4 =	smul.u32 $0x64000, s4  }
0xa: {  	s20 =	sadd.s32 s3, s0;
	s3 =	sadd.s32 $0xF5D000, s0;
	s0 =	sadd.s32 $0xF5C000, s0  }
0xb: {  	s21 =	sshrl.u32 s6, $0x1;
	s25 =	sadd.s32 s2, s4;
	[dreg:$0x3] =	wrdreg s0  }
0xc: {  	s26 =	sor.u32 $0xC80, s4;
	s4 =	sadd.s32 s4, s23;
	[dreg:$0x6] =	wrdreg s25  }
0xd: {  	s0 =	ssub.s32 s6, s21;
	s5 =	sadd.s32 $0xF43000, s20;
	[dreg:$0x7] =	wrdreg s4  }
0xe: {  	s1 =	sadd.s32 s26, s23;
	s23 =	simm.s32 $0x40;
	s20 =	simm.s32 $0x5  }
0xf: {  	s21 =	simm.s32 $0xA;
	s25 =	simm.s32 $0x6;
	[dreg:$0x4] =	wrdreg s5  }
0x10: {  	s0 =	smax.u32 s0, $0x1;
	s5 =	sadd.s32 s22, s2;
	s2 =	sadd.s32 s2, s26  }
0x11: {  	[dreg:$0x9] =	wrdreg s1;
	s22 =	simm.s32 $0x1;
	s26 =	simm.s32 $0xB  }
0x12: {  	s1 =	simm.s32 $0x0;
	[dreg:$0x5] =	wrdreg s0;
	s0 =	sadd.s32 s24, s5  }
0x13: {  	[dreg:$0x8] =	wrdreg s2;
	s24 =	simm.s32 $0x80;
	s11 =	sadd.s32 $0x1908, s0  }
.LBB2_1:
0x14: {  	s0 =	simm.s32 $0x0;
	s2 =	rddreg [dreg:$0x4]  }
0x15: {  	[tilespmem:s0], [sflag:$0xD] =	stream.linear.gather [hbm4b:s2+s0], $0x6400, $0x38;
	[tilespmem:$0x15E00] =	vst v63  }
0x16: {  	_ =	swait.ge [sflag:s12], $0x6400  }
0x17: {  	[sflag:s12] =	ssyncset.done $0x0  }
0x18: {  	s18 =	rddreg [dreg:$0x3];
	[sflag:s12] =	ssyncadd.s32 $0xFFFF9C00  }
0x19: {  	[tilespmem:s13], [sflag:$0xD] =	stream.linear.gather [hbm4b:s18+s0], $0x3200, $0x38;
	[tilespmem:$0x15E00] =	vst v63  }
0x1a: {  	_ =	swait.ge [sflag:s12], $0x3200  }
0x1b: {  	[sflag:s12] =	ssyncset.done $0x0  }
0x1c: {  	s19 =	simm.s32 $0x9600;
	[sflag:s12] =	ssyncadd.s32 $0xFFFFCE00  }
0x1d: {  	[tilespmem:s19], [sflag:$0x1] =	stream.indirect.gather [hbm4b:s3+s14], $0x40, s0, s14, $0xb8;
	[tilespmem:$0x15E00] =	vst v63  }
0x1e: {  	s5 =	simm.s32 $0xB000  }
0x1f: {  	[tilespmem:s5], [sflag:$0x1] =	stream.indirect.gather [hbm4b:s3+s16], $0x40, s14, s16, $0xb8;
	[tilespmem:$0x15E00] =	vst v63  }
0x20: {  	s6 =	simm.s32 $0xC8;
	s4 =	simm.s32 $0xC800  }
0x21: {  	[tilespmem:s4], [sflag:$0x2] =	stream.indirect.gather [hbm4b:s3+s14], $0x40, s6, s14, $0xb8;
	[tilespmem:$0x15E00] =	vst v63  }
0x22: {  	s7 =	simm.s32 $0x130;
	s5 =	simm.s32 $0xE200  }
0x23: {  	[tilespmem:s5], [sflag:$0x2] =	stream.indirect.gather [hbm4b:s3+s16], $0x40, s7, s16, $0xb8;
	[tilespmem:$0x15E00] =	vst v63  }
0x24: {  	_ =	swait.ge [sflag:s22], $0x1A00  }
0x25: {  	[sflag:s22] =	ssyncset.done $0x0  }
0x26: {  	[sflag:s22] =	ssyncadd.s32 $0xFFFFE600  }
0x27: {  	_ =	swait.ge [sflag:s22], $0x1800  }
0x28: {  	[sflag:s22] =	ssyncset.done $0x0  }
0x29: {  	s8 =	rddreg [dreg:$0x6];
	[sflag:s22] =	ssyncadd.s32 $0xFFFFE800  }
0x2a: {  	[hbm4b:s8+s23] =	stream.strided.scatter [tilespmem:s13], [sflag:$0x9], $0x3200, s24, s23, $0x38;
	[tilespmem:$0x15E00] =	vst v63  }
0x2b: {  	s9 =	rddreg [dreg:$0x7]  }
0x2c: {  	[hbm4b:s9+s23] =	stream.strided.scatter [tilespmem:s19], [sflag:$0x5], $0x3200, s24, s23, $0x38;
	[tilespmem:$0x15E00] =	vst v63  }
0x2d: {  	s10 =	simm.s32 $0x190;
	s15 =	simm.s32 $0xFA00  }
0x2e: {  	[tilespmem:s15], [sflag:$0x3] =	stream.indirect.gather [hbm4b:s3+s14], $0x40, s10, s14, $0xb8;
	[tilespmem:$0x15E00] =	vst v63  }
0x2f: {  	s17 =	simm.s32 $0x1F8;
	s18 =	simm.s32 $0x11400  }
0x30: {  	[tilespmem:s18], [sflag:$0x3] =	stream.indirect.gather [hbm4b:s3+s16], $0x40, s17, s16, $0xb8;
	[tilespmem:$0x15E00] =	vst v63  }
0x31: {  	_ =	swait.ge [sflag:s30], $0x1A00  }
0x32: {  	[sflag:s30] =	ssyncset.done $0x0  }
0x33: {  	[sflag:s30] =	ssyncadd.s32 $0xFFFFE600  }
0x34: {  	_ =	swait.ge [sflag:s30], $0x1800  }
0x35: {  	[sflag:s30] =	ssyncset.done $0x0  }
0x36: {  	s19 =	rddreg [dreg:$0x8];
	[sflag:s30] =	ssyncadd.s32 $0xFFFFE800  }
0x37: {  	[hbm4b:s19+s23] =	stream.strided.scatter [tilespmem:s13], [sflag:$0xA], $0x3200, s24, s23, $0x38;
	[tilespmem:$0x15E00] =	vst v63  }
0x38: {  	s9 =	simm.s32 $0x2;
	s2 =	rddreg [dreg:$0x9]  }
0x39: {  	[hbm4b:s2+s23] =	stream.strided.scatter [tilespmem:s4], [sflag:$0x6], $0x3200, s24, s23, $0x38;
	[tilespmem:$0x15E00] =	vst v63  }
0x3a: {  	s6 =	simm.s32 $0x12C00;
	s5 =	simm.s32 $0x258;
	s0 =	sand.u32 $0x3, s9  }
0x3b: {  	[tilespmem:s6], [sflag:$0x4] =	stream.indirect.gather [hbm4b:s3+s14], $0x40, s5, s14, $0xb8;
	[tilespmem:$0x15E00] =	vst v63  }
0x3c: {  	s7 =	simm.s32 $0x2C0;
	s8 =	simm.s32 $0x14600;
	s10 =	sadd.s32 $0x1, s0  }
0x3d: {  	[tilespmem:s8], [sflag:$0x4] =	stream.indirect.gather [hbm4b:s3+s16], $0x40, s7, s16, $0xb8;
	[tilespmem:$0x15E00] =	vst v63  }
0x3e: {  	s15 =	smul.u32 $0xC800, s0;
	_ =	swait.ge [sflag:s10], $0x1A00  }
0x3f: {  	p0 =	por $0x0, $0x0;
	[sflag:s10] =	ssyncset.done $0x0  }
0x40: {  	s17 =	sadd.s32 $0x9, s0;
	s4 =	sshrl.u32 s15, $0x2;
	[sflag:s10] =	ssyncadd.s32 $0xFFFFE600  }
0x41: {  	s0 =	sadd.s32 $0x5, s0;
	s18 =	sadd.s32 $0x9600, s4;
	_ =	swait.ge [sflag:s10], $0x1800  }
0x42: {  	s4 =	simm.s32 $0x5;
	s6 =	simm.s32 $0x4;
	[sflag:s10] =	ssyncset.done $0x0  }
0x43: {  	s19 =	sand.u32 @!p0 $0x3, s6;
	s7 =	sadd.s32 $0xFFFFFFF8, s11;
	[sflag:s10] =	ssyncadd.s32 $0xFFFFE800  }
0x44: {  	[hbm4b:s7+s23] =	stream.strided.scatter [tilespmem:s13], [sflag:s17], $0x3200, s24, s23, $0x38;
	[tilespmem:$0x15E00] =	vst v63  }
0x45: {  	s5 =	simm.s32 $0x320;
	s6 =	simm.s32 $0x6;
	s2 =	sadd.s32 @!p0 $0x9, s19  }
0x46: {  	[hbm4b:s11+s23] =	stream.strided.scatter [tilespmem:s18], [sflag:s0], $0x3200, s24, s23, $0x38;
	[tilespmem:$0x15E00] =	vst v63  }
0x47: {  	s8 =	sadd.s32 @!p0 $0x5, s19;
	s0 =	smul.u32 @!p0 $0xC800, s19;
	_ =	swait.ge @!p0 [sflag:s2], $0x3200  }
0x48: {  	s10 =	simm.s32 @!p0 $0x60;
	s17 =	sadd.s32 $0xC80, s11;
	[sflag:s2] =	ssyncset.done @!p0 $0x0  }
0x49: {  	s19 =	sadd.s32 @!p0 $0x1, s19;
	s7 =	sshrl.u32 @!p0 s0, $0x2;
	[sflag:s2] =	ssyncadd.s32 @!p0 $0xFFFFCE00  }
0x4a: {  	s0 =	simm.s32 $0x3E8;
	s15 =	sadd.s32 @!p0 $0x9600, s7;
	_ =	swait.ge @!p0 [sflag:s8], $0x3200  }
0x4b: {  	s9 =	sadd.s32 @!p0 $0xB000, s7;
	s7 =	simm.s32 $0x3;
	[sflag:s8] =	ssyncset.done @!p0 $0x0  }
0x4c: {  	s2 =	simm.s32 @!p0 $0x68;
	[sflag:s8] =	ssyncadd.s32 @!p0 $0xFFFFCE00;
	s8 =	sand.u32 $0x3, s7  }
.LBB2_2:
0x4d: {  	[tilespmem:s15], [sflag:s19] =	stream.indirect.gather @!p0 [hbm4b:s3+s2], $0x40, s5, s2, $0xb8;
	[tilespmem:$0x15E00] =	vst v63  }
0x4e: {  	s2 =	smov.u32 s6  }
0x4f: {  	s15 =	sadd.s32 $0x1, s8;
	s18 =	smul.u32 $0xC800, s8;
	s5 =	sadd.s32 @!p0 $0x68, s5  }
0x50: {  	[tilespmem:s9], [sflag:s19] =	stream.indirect.gather @!p0 [hbm4b:s3+s10], $0x40, s5, s10, $0xb8;
	[tilespmem:$0x15E00] =	vst v63  }
0x51: {  	s6 =	sadd.s32 $0x1, s6;
	s9 =	sshrl.u32 s18, $0x2;
	_ =	swait.ge [sflag:s15], $0x1A00  }
0x52: {  	p1 =	sne.s32 s6, $0x82;
	s5 =	smov.u32 s0;
	[sflag:s15] =	ssyncset.done $0x0  }
0x53: {  	[sflag:s15] =	ssyncadd.s32 $0xFFFFE600  }
0x54: {  	_ =	swait.ge [sflag:s15], $0x1800  }
0x55: {  	s10 =	sadd.s32 $0xFFFFFFF8, s17;
	[sflag:s15] =	ssyncset.done $0x0  }
0x56: {  	p0 =	sgt.u32 s7, $0x7D;
	[sflag:s15] =	ssyncadd.s32 $0xFFFFE800;
	s15 =	sadd.s32 $0x9, s8  }
0x57: {  	[hbm4b:s10+s23] =	stream.strided.scatter [tilespmem:s13], [sflag:s15], $0x3200, s24, s23, $0x38;
	[tilespmem:$0x15E00] =	vst v63  }
0x58: {  	s7 =	sadd.s32 $0x5, s8;
	s18 =	sand.u32 @!p0 $0x3, s4;
	s8 =	sadd.s32 $0x9600, s9  }
0x59: {  	[hbm4b:s17+s23] =	stream.strided.scatter [tilespmem:s8], [sflag:s7], $0x3200, s24, s23, $0x38;
	[tilespmem:$0x15E00] =	vst v63  }
0x5a: {  	s4 =	smov.u32 s2;
	s7 =	sadd.s32 @!p0 $0x9, s18;
	s8 =	smul.u32 @!p0 $0xC800, s18  }
0x5b: {  	s0 =	sadd.s32 $0xC8, s0;
	s17 =	sadd.s32 $0xC80, s17;
	_ =	swait.ge @!p0 [sflag:s7], $0x3200  }
.Ltmp0:
0x5c: {  	s2 =	sshrl.u32 @!p0 s8, $0x2;
	[sflag:s7] =	ssyncset.done @!p0 $0x0;
	(pc) =	sbr.rel @p1 .LBB2_2-.Ltmp0, $4  }
0x5d: {  	s19 =	sadd.s32 @!p0 $0x5, s18;
	s15 =	sadd.s32 @!p0 $0x9600, s2;
	[sflag:s7] =	ssyncadd.s32 @!p0 $0xFFFFCE00  }
0x5e: {  	s10 =	simm.s32 @!p0 $0x60;
	s9 =	sadd.s32 @!p0 $0xB000, s2;
	_ =	swait.ge @!p0 [sflag:s19], $0x3200  }
0x5f: {  	s2 =	simm.s32 @!p0 $0x68;
	s7 =	sadd.s32 $0xFFFFFFFE, s4;
	[sflag:s19] =	ssyncset.done @!p0 $0x0  }
0x60: {  	s8 =	sand.u32 $0x3, s7;
	[sflag:s19] =	ssyncadd.s32 @!p0 $0xFFFFCE00;
	s19 =	sadd.s32 @!p0 $0x1, s18  }
0x61: {  	[tilespmem:s15], [sflag:s19] =	stream.indirect.gather @!p0 [hbm4b:s3+s2], $0x40, s5, s2, $0xb8;
	[tilespmem:$0x15E00] =	vst v63  }
0x62: {  	s18 =	sadd.s32 $0x1, s8;
	s5 =	sadd.s32 @!p0 $0x68, s5  }
0x63: {  	[tilespmem:s9], [sflag:s19] =	stream.indirect.gather @!p0 [hbm4b:s3+s10], $0x40, s5, s10, $0xb8;
	[tilespmem:$0x15E00] =	vst v63  }
0x64: {  	_ =	swait.ge [sflag:s18], $0x1A00  }
0x65: {  	[sflag:s18] =	ssyncset.done $0x0  }
0x66: {  	[sflag:s18] =	ssyncadd.s32 $0xFFFFE600  }
0x67: {  	s6 =	sadd.s32 $0xFFFFFFF8, s17;
	s9 =	smul.u32 $0xC800, s8;
	_ =	swait.ge [sflag:s18], $0x1800  }
0x68: {  	s10 =	sadd.s32 $0x9, s8;
	p0 =	sgt.u32 s7, $0x7D;
	[sflag:s18] =	ssyncset.done $0x0  }
0x69: {  	s4 =	sand.u32 @!p0 $0x3, s4;
	s5 =	sshrl.u32 s9, $0x2;
	[sflag:s18] =	ssyncadd.s32 $0xFFFFE800  }
0x6a: {  	[hbm4b:s6+s23] =	stream.strided.scatter [tilespmem:s13], [sflag:s10], $0x3200, s24, s23, $0x38;
	[tilespmem:$0x15E00] =	vst v63  }
0x6b: {  	s15 =	sadd.s32 $0x5, s8;
	s2 =	sadd.s32 @!p0 $0x9, s4;
	s5 =	sadd.s32 $0x9600, s5  }
0x6c: {  	[hbm4b:s17+s23] =	stream.strided.scatter [tilespmem:s5], [sflag:s15], $0x3200, s24, s23, $0x38;
	[tilespmem:$0x15E00] =	vst v63  }
0x6d: {  	_ =	swait.ge @!p0 [sflag:s2], $0x3200  }
0x6e: {  	[sflag:s2] =	ssyncset.done @!p0 $0x0  }
0x6f: {  	s5 =	smul.u32 @!p0 $0xC800, s4;
	[sflag:s2] =	ssyncadd.s32 @!p0 $0xFFFFCE00;
	s2 =	sadd.s32 @!p0 $0x5, s4  }
0x70: {  	s7 =	simm.s32 @!p0 $0x68;
	_ =	swait.ge @!p0 [sflag:s2], $0x3200  }
0x71: {  	s18 =	simm.s32 $0x9;
	s5 =	sshrl.u32 @!p0 s5, $0x2;
	[sflag:s2] =	ssyncset.done @!p0 $0x0  }
0x72: {  	s6 =	sadd.s32 @!p0 $0x9600, s5;
	[sflag:s2] =	ssyncadd.s32 @!p0 $0xFFFFCE00;
	s2 =	sadd.s32 @!p0 $0x1, s4  }
0x73: {  	[tilespmem:s6], [sflag:s2] =	stream.indirect.gather @!p0 [hbm4b:s3+s7], $0x40, s0, s7, $0xb8;
	[tilespmem:$0x15E00] =	vst v63  }
0x74: {  	s4 =	sadd.s32 @!p0 $0xB000, s5;
	s5 =	simm.s32 @!p0 $0x60;
	s0 =	sadd.s32 @!p0 $0x68, s0  }
0x75: {  	[tilespmem:s4], [sflag:s2] =	stream.indirect.gather @!p0 [hbm4b:s3+s5], $0x40, s0, s5, $0xb8;
	[tilespmem:$0x15E00] =	vst v63  }
0x76: {  	_ =	swait.ge [sflag:s18], $0x3200  }
0x77: {  	[sflag:s18] =	ssyncset.done $0x0  }
0x78: {  	[sflag:s18] =	ssyncadd.s32 $0xFFFFCE00  }
0x79: {  	_ =	swait.ge [sflag:s20], $0x3200  }
0x7a: {  	[sflag:s20] =	ssyncset.done $0x0  }
0x7b: {  	[sflag:s20] =	ssyncadd.s32 $0xFFFFCE00  }
0x7c: {  	_ =	swait.ge [sflag:s21], $0x3200  }
0x7d: {  	[sflag:s21] =	ssyncset.done $0x0  }
0x7e: {  	[sflag:s21] =	ssyncadd.s32 $0xFFFFCE00  }
0x7f: {  	_ =	swait.ge [sflag:s25], $0x3200  }
0x80: {  	[sflag:s25] =	ssyncset.done $0x0  }
0x81: {  	[sflag:s25] =	ssyncadd.s32 $0xFFFFCE00  }
0x82: {  	_ =	swait.ge [sflag:s26], $0x3200  }
0x83: {  	[sflag:s26] =	ssyncset.done $0x0  }
0x84: {  	[sflag:s26] =	ssyncadd.s32 $0xFFFFCE00  }
0x85: {  	_ =	swait.ge [sflag:s28], $0x3200  }
0x86: {  	[sflag:s28] =	ssyncset.done $0x0  }
0x87: {  	[sflag:s28] =	ssyncadd.s32 $0xFFFFCE00  }
0x88: {  	_ =	swait.ge [sflag:s29], $0x3200  }
0x89: {  	[sflag:s29] =	ssyncset.done $0x0  }
0x8a: {  	[sflag:s29] =	ssyncadd.s32 $0xFFFFCE00  }
0x8b: {  	_ =	swait.ge [sflag:s31], $0x3200  }
0x8c: {  	s1 =	sadd.s32 $0x1, s1;
	s19 =	rddreg [dreg:$0x5]  }
0x8d: {  	p0 =	sne.s32 s1, s19  }
.Ltmp1:
0x8e: {  	_ = 	snop;
	(pc) =	sbr.rel @p0 .LBB2_1-.Ltmp1, $3  }
0x8f: {  	_ =	sdelay $0x1  }
0x90: {  	[sflag:s31] =	ssyncset.done $0x0  }
0x91: {  	[sflag:s31] =	ssyncadd.s32 $0xFFFFCE00  }
0x92: {  	_ =	sfence.sel $0x180000  }
0x93: {  	[bflag:$0x0] =	sbarrier.arrive $0xFFFF  }
0x94: {  	_ =	strace $0x9000004A  }
0x95: {  	s0 =	stileid.u32;
	[bflag:$0x2] =	sbarrier.arrive $0xFFFF  }
0x96: {  	p0 =	sne.s32 s0, $0x0;
	s0 =	rddreg [dreg:$0x2]  }
0x97: {  	s0 =	sadd.s32 @!p0 $0x100000, s0  }
0x98: {  	[sflag:s0] =	ssyncadd.tile.s32 @!p0 $0x1;
	_ =	shalt  }
.Lfunc_end2:
_tile_overlayer_lowered:
.L_overlay_start_2:
0x99: {  	(tag) =	ssettag $0x2  }
0x9a: {  	s0 =	rddreg [dreg:$0x0];
	s2 =	stileid.u32  }
0x9b: {  	s1 =	rddreg [dreg:$0x1];
	p0 =	sne.s32 s2, $0x0  }
0x9c: {  	s3 =	rddreg [dreg:$0x2];
	[bflag:$0x3] =	sbarrier.arrive $0xFFFF;
	s2 =	simm.s32 @!p0 $0x1C0D  }
0x9d: {  	[timem:s3], [sflag:s2] =	dma.local @!p0 [hbm:s0], s1  }
0x9e: {  	s0 =	simm.s32 @!p0 $0xD  }
0x9f: {  	_ =	swait.ge @!p0 [sflag:s0], s1  }
0xa0: {  	s1 =	ssub.s32 @!p0 $0x0, s1;
	[sflag:s0] =	ssyncset.done @!p0 $0x0  }
0xa1: {  	[sflag:s0] =	ssyncadd.s32 @!p0 s1  }
0xa2: {  	[bflag:$0x3] =	sbarrier.arrive $0xFFFF  }
0xa3: {  	_ =	shalt  }

// kernel: sparse-core-data-format-call.cloned.1.call-start
scs
called_computation_lowered:
.L_overlay_start_0:
0x0: {  	s2 =	sld [smem:$0x3FD9]  }
0x1: {  	s3 =	sld [smem:$0x3FFE];
	_ =	sdelay $0x1  }
0x2: {  	s1 =	srdreg.scid  }
0x3: {  	s0 =	sand.u32 $0x1, s1  }
0x4: {  	s18 =	sshll.u32 s0, $0xA;
	s2 =	sadd.s32 s3, s2  }
0x5: {  	s2 =	sadd.s32 s2, s18  }
0x6: {  	[smem:$0x3FC5] =	sst s2  }
0x7: {  	_ = 	snop  }
0x8: {  	s2 =	sld [smem:$0x3FC8];
	(tm) =	ssettm $0x1  }
0x9: {  	s19 =	sld [smem:$0x3FFB];
	_ =	sdelay $0x3  }
0xa: {  	_ =	strace s19  }
0xb: {  	s3 =	sld [smem:$0x3FFC];
	_ =	sdelay $0x3  }
0xc: {  	_ =	strace s3  }
0xd: {  	s3 =	sld [smem:$0x3FFD];
	_ =	sdelay $0x3  }
0xe: {  	_ =	strace s3  }
0xf: {  	_ =	strace $0x8FFFFFFF  }
0x10: {  	s20 =	sld [smem:$0x3FDB];
	_ =	sdelay $0x1  }
0x11: {  	s4 =	simm.s32 $_scs_section_size  }
0x12: {  	s5 =	simm.s32 $_size__tile_overlayer_lowered;
	s6 =	simm.s32 $_tile_overlayer_lowered  }
0x13: {  	s23 =	simm.s32 $0x1BFF;
	s22 =	sshll.u32 s6, $0x1;
	s3 =	sadd.s32 s4, s20  }
0x14: {  	s7 =	simm.s32 $0x0;
	s21 =	sshll.u32 s5, $0x1;
	s5 =	sadd.s32 s22, s3  }
0x15: {  	[timem:s7], [sflag:s23] =	dma.local [hbm:s5], s21  }
0x16: {  	_ =	swait.ge [sflag:s23], s21  }
0x17: {  	s4 =	ssub.s32 $0x0, s21;
	[sflag:s23] =	ssyncset.done $0x0  }
0x18: {  	[sflag:s23] =	ssyncadd.s32 s4;
	_ =	sdelay $0x1  }
0x19: {  	s24 =	simm.s32 $0x1B8B  }
0x1a: {  	_ =	swait.ge [sflag:s24], $0x1  }
0x1b: {  	[sflag:s24] =	ssyncset.done $0x0  }
0x1c: {  	s26 =	simm.s32 $0x1B8E;
	s25 =	sld [smem:$0x3FFE];
	[sflag:s24] =	ssyncadd.s32 $0xFFFFFFFF  }
0x1d: {  	s27 =	simm.s32 $execute0_lowered;
	[smem:$0x3FD2] =	sst s26  }
0x1e: {  	s5 =	sshll.u32 s27, $0x1;
	_ =	strace $0x80000046;
	[dreg:$0x1] =	wrdreg $0xFFFFFFFF  }
0x1f: {  	s28 =	simm.s32 $_size_execute0_lowered;
	s3 =	sadd.s32 s3, s5;
	[dreg:$0x0] =	wrdreg $0x0  }
0x20: {  	s5 =	sshll.u32 s28, $0x1;
	[dreg:$0x2] =	wrdreg s3  }
0x21: {  	[dreg:$0x3] =	wrdreg s5  }
0x22: {  	[dreg:$0x4] =	wrdreg $0xC0  }
0x23: {  	_ =	task [dreg:s7], $0x5FFFF  }
0x24: {  	[dreg:$0x1] =	wrdreg $0xFFFFFFFF  }
0x25: {  	[dreg:$0x0] =	wrdreg $0x60  }
0x26: {  	[dreg:$0x2] =	wrdreg s2  }
0x27: {  	[dreg:$0x3] =	wrdreg s25  }
0x28: {  	[dreg:$0x4] =	wrdreg $0x9  }
0x29: {  	_ =	task.clear_ibuf [dreg:s7], $0x5FFFF;
	_ =	strace $0x90000046  }
0x2a: {  	s29 =	simm.s32 $0x9;
	_ =	strace $0x80000048  }
0x2b: {  	_ =	swait.ge [sflag:s29], $0x1  }
0x2c: {  	[sflag:s29] =	ssyncadd.s32 $0xFFFFFFFF  }
0x2d: {  	_ =	strace $0x90000048  }
0x2e: {  	_ =	sfence  }
0x2f: {  	s30 =	sld [smem:$0x0];
	_ =	sdelay $0x2  }
0x30: {  	s31 =	sshll.u32 s1, $0xD;
	s1 =	sshrl.u32 s1, $0x2  }
0x31: {  	s3 =	sand.u32 $0x4000, s31;
	s1 =	sadd.s32 s1, s30  }
0x32: {  	s0 =	sor.u32 s3, s0;
	s1 =	sshll.u32 s1, $0x11  }
0x33: {  	s0 =	sor.u32 s1, s0  }
0x34: {  	s0 =	sadd.s32 $0x8F2B, s0  }
0x35: {  	[sflag:s0] =	ssyncadd.remote.s32 $0x1  }
0x36: {  	_ =	sfence.sel $0xFFFF  }
0x37: {  	[dreg:$0x0] =	wrdreg $0xFFFFFFFF;
	(pc) =	sbr.abs _section_cstart, $3  }
0x38: {  	[dreg:$0x1] =	wrdreg $0xFFFFFFFF  }
0x39: {  	_ =	task.clear_ibuf [dreg:s7], $0x2FFFF;
	_ =	strace $0x9FFFFFFF  }
0x3a: {  	(tm) =	ssettm $0x7FFFFFFF  }
0x3b: {  	_ =	shalt  }
tec
execute0_lowered:
.L_overlay_start_1:
0x0: {  	(tag) =	ssettag $0x1  }
0x1: {  	s0 =	srdreg.scid;
	s2 =	rddreg [dreg:$0x0]  }
0x2: {  	s5 =	rddreg [dreg:$0x1];
	s1 =	stileid.u32  }
0x3: {  	s4 =	simm.s32 $0x1;
	s6 =	simm.s32 $0x2;
	s15 =	simm.s32 $0x0  }
0x4: {  	p0 =	por $0x0, $0x0;
	s8 =	simm.s32 $0x80;
	s0 =	sshll.u32 s0, $0x4  }
0x5: {  	s14 =	simm.s32 $0x0;
	s9 =	simm.s32 $0x0;
	s3 =	sand.u32 $0x10, s0  }
.Ltmp0:
0x6: {  	s10 =	simm.s32 $0x0;
	s3 =	sor.u32 s1, s3;
	(pc) =	sbr.rel .LBB1_1-.Ltmp0, $4  }
0x7: {  	s0 =	rddreg [dreg:$0x2];
	_ =	strace $0x80000047;
	s3 =	sshll.u32 s3, $0x7  }
0x8: {  	s12 =	simm.s32 $0x0;
	[sflag:s4] =	ssyncpa.u1 $0x0;
	s7 =	ssub.s32 $0xF4200, s3  }
0x9: {  	s13 =	simm.s32 $0x0;
	[sflag:s6] =	ssyncpa.u1 $0x0;
	s6 =	sshrl.u32 s7, $0xC  }
0xa: {  	s5 =	sadd.s32 $0xC00, s5;
	s11 =	smov.u32 s3;
	s7 =	sadd.s32 $0x2, s6  }
.LBB1_5:
0xb: {  	p1 =	slt.u32 s13, $0x2  }
0xc: {  	s17 =	smov.u32 s15;
	p2 =	sgt.s32 @!p1 s15, $0xF41C0;
	s16 =	sshra.s32 @!p1 s15, $0x1F  }
0xd: {  	p3 =	sgt.s32 @!p1 s14, $0x40;
	s18 =	sshra.s32 @!p1 s14, $0x1F;
	p2 =	por !p2, p1  }
0xe: {  	s15 =	sand.u32 @!p1 s16, s15;
	p3 =	por !p3, p1;
	s16 =	smov.u32 s14  }
0xf: {  	s14 =	sand.u32 @!p1 s18, s14;
	s17 =	simm.s32 @p2 $0xF41C0;
	s16 =	simm.s32 @p3 $0x40  }
0x10: {  	s15 =	ssub.s32 @!p1 s17, s15;
	s14 =	ssub.s32 @!p1 s16, s14  }
0x11: {  	s18 =	smov.u32 s12;
	s16 =	sadd.s32 @!p1 $0xFFF0BE40, s15;
	s17 =	sadd.s32 @!p1 $0xFFFFFFC0, s14  }
0x12: {  	s15 =	ssub.s32 @!p1 $0xF4240, s15;
	p2 =	sgt.s32 @!p1 s16, $0x7F;
	p3 =	sgt.s32 @!p1 s17, $0x3F  }
0x13: {  	s14 =	ssub.s32 @!p1 $0x80, s14;
	p2 =	por !p2, p1;
	p3 =	por !p3, p1  }
0x14: {  	s16 =	sadd.s32 $0x1000, s11;
	s15 =	simm.s32 @!p2 $0x0;
	s14 =	simm.s32 @!p3 $0x0  }
0x15: {  	p2 =	sgt.s32 s16, $0xF423F;
	s14 =	smul.u32 @!p1 s14, s15;
	s15 =	sadd.s32 $0x40, s12  }
0x16: {  	s18 =	smov.u32 @p2 s15  }
0x17: {  	s16 =	smov.u32 @p2 s3;
	p2 =	sgt.s32 s18, $0x3F  }
0x18: {  	s18 =	simm.s32 @p2 $0x0;
	p2 =	sne.s32 s13, s7  }
.Ltmp1:
0x19: {  	p0 =	por !p0, !p0;
	s17 =	simm.s32 @!p1 $0x2;
	(pc) =	sbr.rel @!p2 .LBB1_6-.Ltmp1, $4  }
0x1a: {  	s15 =	smov.u32 s9;
	s9 =	smov.u32 s11;
	s14 =	sand.u32 @!p1 $0x3FFFFFFF, s14  }
0x1b: {  	s11 =	smov.u32 s16;
	_ =	swait.ge @!p1 [sflag:s17], s14;
	s19 =	ssub.s32 @!p1 $0x0, s14  }
0x1c: {  	s14 =	smov.u32 s10;
	s13 =	sadd.s32 $0x1, s13;
	[sflag:s17] =	ssyncset.done @!p1 $0x0  }
0x1d: {  	s10 =	smov.u32 s12;
	s12 =	smov.u32 s18;
	[sflag:s17] =	ssyncadd.s32 @!p1 s19  }
.LBB1_1:
0x1e: {  	p1 =	sgt.u32 s13, s6  }
0x1f: {  	s16 =	sshrl.u32 @!p1 s12, $0x3  }
0x20: {  	s17 =	sshll.u32 @!p1 s11, $0x3;
	s16 =	smul.u32 @!p1 $0x7A1400, s16  }
0x21: {  	s18 =	sshll.u32 @!p1 s12, $0x7;
	s17 =	sand.u32 @!p1 $0xFFFFFC00, s17  }
0x22: {  	s16 =	sadd.s32 @!p1 s16, s17;
	s17 =	sand.u32 @!p1 $0x380, s18  }
0x23: {  	s18 =	sand.u32 @!p1 $0x7F, s11;
	s16 =	sor.u32 @!p1 s17, s16  }
0x24: {  	s17 =	sor.u32 @!p1 s18, s16  }
0x25: {  	s18 =	smulhi.u32 @!p1 $0x218D6287, s17;
	_ =	sdelay $0x1  }
0x26: {  	s16 =	smulhi.u32 @!p1 $0x218D6287, s16;
	s18 =	sshrl.u32 @!p1 s18, $0x11  }
0x27: {  	s18 =	smul.u32 @!p1 $0xF4280, s18  }
0x28: {  	s19 =	sxor.u32 @!p1 $0xFFFFFFFF, s13;
	s16 =	sshrl.u32 @!p1 s16, $0x11  }
0x29: {  	s19 =	sshll.u32 @!p1 s19, $0xD;
	s16 =	sand.u32 @!p1 $0x3F, s16;
	s17 =	ssub.s32 @!p1 s17, s18  }
0x2a: {  	s16 =	smul.u32 @!p1 $0x1E850, s16;
	s18 =	sshrl.u32 @!p1 s17, $0x3;
	s17 =	sand.u32 @!p1 $0x7, s17  }
0x2b: {  	s19 =	sand.u32 @!p1 $0x2000, s19;
	s18 =	sadd.s32 @!p1 s2, s18;
	s17 =	sshll.u32 @!p1 s17, $0x12  }
0x2c: {  	s16 =	sadd.s32 @!p1 s16, s18;
	s17 =	sor.u32 @!p1 $0x400, s17;
	s18 =	simm.s32 @!p1 $0x7A1400  }
0x2d: {  	[tilespmem:s19], [sflag:$0x1] =	stream.strided.gather @!p1 [hbm4b:s16+s17], $0x2000, s18, s17, $0x38;
	[tilespmem:$0x8100] =	vst v63  }
0x2e: {  	p1 =	seq.s32 s13, $0x0  }
0x2f: {  	p2 =	sge.u32 @!p1 s13, s7  }
0x30: {  	p1 =	por p1, p2  }
.Ltmp2:
0x31: {  	_ = 	snop;
	(pc) =	sbr.rel @p1 .LBB1_5-.Ltmp2, $1  }
0x32: {  	_ =	sdelay $0x3  }
0x33: {  	s16 =	simm.s32 $0x1  }
0x34: {  	_ =	swait.ge [sflag:s4], $0x2000;
	s16 =	simm.s32 @!p0 $0x0  }
0x35: {  	[sflag:s4] =	ssyncset.done $0x0;
	s17 =	sshll.u32 s16, $0xD  }
0x36: {  	[sflag:s4] =	ssyncadd.s32 $0xFFFFE000;
	s17 =	sor.u32 $0x40, s17  }
0x37: {  	s16 =	smul.u32 $0x8200, s16;
	v0 =	vld [tilespmem:s17+$0x30]  }
0x38: {  	v1 =	vld [tilespmem:s17+$0xFFFFFFD0]  }
0x39: {  	s16 =	sshrl.u32 s16, $0x2;
	v5 =	vld [tilespmem:s17+$0xFFFFFFE0]  }
0x3a: {  	v6 =	vld [tilespmem:s17+$0xFFFFFFF0];
	s19 =	sor.u32 $0x4000, s16  }
0x3b: {  	s31 =	sand.u32 $0x1, s13;
	v4 =	vld [tilespmem:s17+$0x0];
	s18 =	sadd.s32 $0x0, s19  }
0x3c: {  	v3 =	vld [tilespmem:s17+$0x10];
	s16 =	smul.u32 $0x8200, s31;
	[tilespmem:s18+$0x1C70 ss:$0x41] =	vst.msk $0xffff, v0  }
0x3d: {  	v2 =	vld [tilespmem:s17+$0x20];
	[tilespmem:s18+$0x410 ss:$0x41] =	vst.msk $0xffff, v1  }
0x3e: {  	s16 =	sshrl.u32 s16, $0x2;
	v1 =	vld [tilespmem:s17+$0xFFFFFFC0];
	[tilespmem:s18+$0x820 ss:$0x41] =	vst.msk $0xffff, v5;
	s17 =	sadd.s32 $0x80, s17  }
0x3f: {  	s20 =	simm.s32 $0x4;
	s21 =	simm.s32 $0x8;
	s16 =	sor.u32 $0x4000, s16;
	[tilespmem:s18+$0xC30 ss:$0x41] =	vst.msk $0xffff, v6;
	v0 =	vld [tilespmem:s17+$0x30]  }
.LBB1_3:
0x40: {  	p1 =	sne.s32 s21, $0xFC;
	v5 =	vld [tilespmem:s17+$0xFFFFFFD0];
	[tilespmem:s18+$0x1040 ss:$0x41] =	vst.msk $0xffff, v4  }
0x41: {  	v6 =	vld [tilespmem:s17+$0xFFFFFFE0];
	[tilespmem:s18+$0x1450 ss:$0x41] =	vst.msk $0xffff, v3  }
0x42: {  	s22 =	sshra.s32 s20, $0x2;
	s20 =	smov.u32 s21;
	v7 =	vld [tilespmem:s17+$0xFFFFFFF0];
	[tilespmem:s18+$0x1860 ss:$0x41] =	vst.msk $0xffff, v2  }
.Ltmp3:
0x43: {  	v4 =	vld [tilespmem:s17+$0x0];
	[tilespmem:s18+$0x0 ss:$0x41] =	vst.msk $0xffff, v1;
	s18 =	sadd.s32 s22, s19;
	(pc) =	sbr.rel @p1 .LBB1_3-.Ltmp3, $4  }
0x44: {  	v3 =	vld [tilespmem:s17+$0x10];
	[tilespmem:s18+$0x1C70 ss:$0x41] =	vst.msk $0xffff, v0  }
0x45: {  	[tilespmem:s18+$0x410 ss:$0x41] =	vst.msk $0xffff, v5;
	v2 =	vld [tilespmem:s17+$0x20]  }
0x46: {  	v1 =	vld [tilespmem:s17+$0xFFFFFFC0];
	[tilespmem:s18+$0x820 ss:$0x41] =	vst.msk $0xffff, v6;
	s17 =	sadd.s32 $0x80, s17  }
0x47: {  	s21 =	sadd.s32 $0x4, s21;
	v0 =	vld [tilespmem:s17+$0x30];
	[tilespmem:s18+$0xC30 ss:$0x41] =	vst.msk $0xffff, v7  }
0x48: {  	s21 =	sshll.u32 s9, $0x7;
	s22 =	sshll.u32 s10, $0x3;
	s20 =	sshra.s32 s20, $0x2  }
0x49: {  	p1 =	sgt.s32 s9, $0xF41C0;
	s30 =	sshra.s32 s9, $0x1F;
	s25 =	sshra.s32 s10, $0x1F  }
0x4a: {  	v5 =	vld [tilespmem:s17+$0xFFFFFFD0];
	s28 =	sshrl.u32 s10, $0x3;
	s23 =	sand.u32 $0xFFFFFC00, s21;
	s22 =	sand.u32 $0xFFFFFC00, s22  }
0x4b: {  	[tilespmem:s18+$0x1040 ss:$0x41] =	vst.msk $0xffff, v4;
	v58 =	vld [tilespmem:s17+$0xFFFFFFE0];
	s21 =	sand.u32 $0x380, s21;
	s19 =	sadd.s32 s20, s19;
	s22 =	sadd.s32 s22, s23  }
0x4c: {  	v59 =	vld [tilespmem:s17+$0xFFFFFFF0];
	[tilespmem:s18+$0x1450 ss:$0x41] =	vst.msk $0xffff, v3;
	s29 =	sor.u32 s21, s22;
	s21 =	smov.u32 s9;
	s22 =	sand.u32 s30, s9  }
0x4d: {  	v60 =	vld [tilespmem:s17+$0x0];
	[tilespmem:s18+$0x1860 ss:$0x41] =	vst.msk $0xffff, v2;
	s30 =	sand.u32 $0x7, s10;
	s20 =	sshrl.u32 s29, $0x7;
	s21 =	simm.s32 @!p1 $0xF41C0  }
0x4e: {  	v61 =	vld [tilespmem:s17+$0x10];
	[tilespmem:s18+$0x0 ss:$0x41] =	vst.msk $0xffff, v1;
	p1 =	sgt.s32 s10, $0x40;
	s24 =	ssub.s32 s21, s22;
	s21 =	smov.u32 s10  }
0x4f: {  	v62 =	vld [tilespmem:s17+$0x20];
	[tilespmem:s19+$0x1C70 ss:$0x41] =	vst.msk $0xffff, v0;
	s31 =	smulhi.u32 $0x218DEF5, s20;
	s22 =	sand.u32 s25, s10;
	s21 =	simm.s32 @!p1 $0x40  }
0x50: {  	v63 =	vld [tilespmem:s17+$0xFFFFFFC0];
	[tilespmem:s19+$0x410 ss:$0x41] =	vst.msk $0xffff, v5;
	s26 =	sadd.s32 $0xFFF0BE40, s24;
	s17 =	ssub.s32 $0xF4240, s24;
	s21 =	ssub.s32 s21, s22  }
0x51: {  	[tilespmem:s19+$0x820 ss:$0x41] =	vst.msk $0xffff, v58;
	s23 =	sshrl.u32 s31, $0xD;
	p1 =	sgt.s32 s26, $0x7F;
	s27 =	sadd.s32 $0xFFFFFFC0, s21  }
0x52: {  	[tilespmem:s19+$0xC30 ss:$0x41] =	vst.msk $0xffff, v59;
	s23 =	smul.u32 $0xF4240, s23;
	s18 =	ssub.s32 $0x80, s21;
	p2 =	sgt.s32 s27, $0x3F  }
.Ltmp4:
0x53: {  	[tilespmem:s19+$0x1040 ss:$0x41] =	vst.msk $0xffff, v60;
	s17 =	simm.s32 @p1 $0x0;
	s18 =	simm.s32 @p2 $0x0;
	(pc) =	sbr.rel .LBB1_5-.Ltmp4, $4  }
0x54: {  	s29 =	sand.u32 $0xF, s28;
	[tilespmem:s19+$0x1450 ss:$0x41] =	vst.msk $0xffff, v61;
	s20 =	ssub.s32 s20, s23;
	s17 =	smul.u32 s18, s17  }
0x55: {  	[tilespmem:s19+$0x1860 ss:$0x41] =	vst.msk $0xffff, v62;
	s21 =	sshll.u32 s30, $0x12;
	s20 =	sshll.u32 s20, $0x4;
	s18 =	sadd.s32 s5, s29  }
0x56: {  	[tilespmem:s19+$0x0 ss:$0x41] =	vst.msk $0xffff, v63;
	s31 =	sor.u32 $0x40, s21;
	s18 =	sadd.s32 s20, s18;
	s17 =	sand.u32 $0x3FFFFFFF, s17  }
0x57: {  	[hbm4b:s18+s31] =	stream.strided.scatter [tilespmem:s16], [sflag:$0x2], s17, s8, s31, $0x18;
	[tilespmem:$0x8100] =	vst v63  }
.LBB1_6:
0x58: {  	_ =	sfence.sel $0x180000  }
0x59: {  	s2 =	simm.s32 $0x1;
	[bflag:$0x0] =	sbarrier.arrive $0xFFFF  }
0x5a: {  	s31 =	simm.s32 $0x2;
	[sflag:s2] =	ssyncpa.u1 $0x1  }
0x5b: {  	[sflag:s31] =	ssyncpa.u1 $0x1  }
0x5c: {  	p0 =	sne.s32 s1, $0x0;
	_ =	strace $0x90000047  }
0x5d: {  	s0 =	sadd.s32 @!p0 $0x100000, s0;
	[bflag:$0x2] =	sbarrier.arrive $0xFFFF  }
0x5e: {  	[sflag:s0] =	ssyncadd.tile.s32 @!p0 $0x1;
	_ =	shalt  }
.Lfunc_end1:
_tile_overlayer_lowered:
.L_overlay_start_2:
0x5f: {  	(tag) =	ssettag $0x2  }
0x60: {  	s0 =	rddreg [dreg:$0x0];
	s2 =	stileid.u32  }
0x61: {  	s1 =	rddreg [dreg:$0x1];
	p0 =	sne.s32 s2, $0x0  }
0x62: {  	s3 =	rddreg [dreg:$0x2];
	[bflag:$0x3] =	sbarrier.arrive $0xFFFF;
	s2 =	simm.s32 @!p0 $0x1C01  }
0x63: {  	[timem:s3], [sflag:s2] =	dma.local @!p0 [hbm:s0], s1  }
0x64: {  	s0 =	simm.s32 @!p0 $0x1  }
0x65: {  	_ =	swait.ge @!p0 [sflag:s0], s1  }
0x66: {  	s1 =	ssub.s32 @!p0 $0x0, s1;
	[sflag:s0] =	ssyncset.done @!p0 $0x0  }
0x67: {  	[sflag:s0] =	ssyncadd.s32 @!p0 s1  }
0x68: {  	[bflag:$0x3] =	sbarrier.arrive $0xFFFF  }
0x69: {  	_ =	shalt  }

</sc_bundles>
